<compile_context>
chip_gen: v7x
topology: tpu7x:2x2x1
jax: 0.10.2.dev20260603
libtpu: 0.0.44.dev20260713+nightly
codegen_flags: <defaults>
</compile_context>

<pallas_src>
import dataclasses
import functools

import jax
import jax.numpy as jnp
from jax import lax
from jax.experimental import pallas as pl
from jax.experimental.pallas import tpu as pltpu
from jax.experimental.pallas import tpu_sc as plsc

N = 10000
D = 128
E = 320000

NC = 2
NS = 16
NW = NC * NS
C = 128
NCH = 80
EPW = NCH * C
E_PAD = NW * EPW
NPAD = 10240
RPW = NPAD // NS

_sc_mesh = plsc.VectorSubcoreMesh(core_axis_name="c", subcore_axis_name="s")

_sc_params = pltpu.CompilerParams()
if "needs_layout_passes" in pltpu.CompilerParams.__dataclass_fields__:
    _sc_params = dataclasses.replace(_sc_params, needs_layout_passes=False)


@functools.partial(
    pl.kernel,
    out_type=jax.ShapeDtypeStruct((NC, NPAD, D), jnp.float32),
    mesh=_sc_mesh,
    scratch_types=[
        pltpu.VMEM((NCH, C), jnp.int32),
        pltpu.VMEM((NCH, C), jnp.int32),
        pltpu.VMEM((NCH, C), jnp.float32),
        pltpu.VMEM((C, D), jnp.float32),
        pltpu.VMEM_SHARED((NPAD, D), jnp.float32),
        pltpu.SemaphoreType.DMA,
    ],
    compiler_params=_sc_params,
)
def spmm(h_hbm, src_hbm, dst_hbm, w_hbm, out_hbm,
         src_loc, dst_loc, w_loc, rows, acc, sem):
    cid = lax.axis_index("c")
    tid = lax.axis_index("s")
    wid = cid * NS + tid

    zero16 = jnp.zeros((16,), jnp.float32)

    @pl.loop(0, C)
    def _(r):
        for g in range(D // 16):
            rows[r, pl.ds(16 * g, 16)] = zero16

    @pl.loop(0, RPW // C)
    def _(z):
        pltpu.sync_copy(rows, acc.at[pl.ds(tid * RPW + z * C, C)])

    pltpu.sync_copy(src_hbm.at[pl.ds(wid * NCH, NCH)], src_loc)
    pltpu.sync_copy(dst_hbm.at[pl.ds(wid * NCH, NCH)], dst_loc)
    pltpu.sync_copy(w_hbm.at[pl.ds(wid * NCH, NCH)], w_loc)

    plsc.subcore_barrier()

    @pl.loop(0, NCH)
    def _(j):
        pltpu.async_copy(h_hbm.at[src_loc.at[j]], rows, sem).wait()

        @pl.loop(0, C)
        def _(e):
            ij = jnp.full((16,), j, jnp.int32)
            ie = jnp.full((16,), e, jnp.int32)
            ws = plsc.load_gather(w_loc, [ij, ie])
            for g in range(D // 16):
                sl = pl.ds(16 * g, 16)
                rows[e, sl] = rows[e, sl] * ws

        pltpu.sync_copy(rows, acc.at[dst_loc.at[j]], add=True)

    plsc.subcore_barrier()

    pltpu.sync_copy(acc.at[pl.ds(tid * RPW, RPW)],
                    out_hbm.at[cid].at[pl.ds(tid * RPW, RPW)])


def _mlp(emb, w1t, b1r, w2t, b2r):
    def body(x_ref, w1_ref, b1_ref, w2_ref, b2_ref, o_ref):
        x = x_ref[...]
        h = jnp.dot(x, w1_ref[...], preferred_element_type=jnp.float32,
                    precision=lax.Precision.HIGHEST) + b1_ref[...]
        h = jnp.where(h > 0, h, 0.1 * h)
        o_ref[...] = jnp.dot(h, w2_ref[...], preferred_element_type=jnp.float32,
                             precision=lax.Precision.HIGHEST) + b2_ref[...]

    return pl.pallas_call(
        body,
        grid=(5,),
        in_specs=[
            pl.BlockSpec((N // 5, D), lambda i: (i, 0)),
            pl.BlockSpec((D, D), lambda i: (0, 0)),
            pl.BlockSpec((1, D), lambda i: (0, 0)),
            pl.BlockSpec((D, D), lambda i: (0, 0)),
            pl.BlockSpec((1, D), lambda i: (0, 0)),
        ],
        out_specs=pl.BlockSpec((N // 5, D), lambda i: (i, 0)),
        out_shape=jax.ShapeDtypeStruct((N, D), jnp.float32),
    )(emb, w1t, b1r, w2t, b2r)


def _combine(p):
    def body(p_ref, o_ref):
        o_ref[...] = p_ref[0] + p_ref[1]

    blk = NPAD // 5
    return pl.pallas_call(
        body,
        grid=(5,),
        in_specs=[pl.BlockSpec((2, blk, D), lambda i: (0, i, 0))],
        out_specs=pl.BlockSpec((blk, D), lambda i: (i, 0)),
        out_shape=jax.ShapeDtypeStruct((NPAD, D), jnp.float32),
    )(p)


def kernel(seq_a, edge_index, edge_weight, embedding, W1, b1, W2, b2):
    h_a = _mlp(embedding, W1.T, b1.reshape(1, D), W2.T, b2.reshape(1, D))

    dst = edge_index[0]
    src = edge_index[1]
    pad = E_PAD - E
    pad_idx = jnp.arange(pad, dtype=jnp.int32)
    src_p = jnp.concatenate([src, pad_idx % N]).reshape(NW * NCH, C)
    dst_p = jnp.concatenate([dst, N + pad_idx % (NPAD - N)]).reshape(NW * NCH, C)
    w_p = jnp.concatenate([edge_weight, jnp.zeros((pad,), jnp.float32)]
                          ).reshape(NW * NCH, C)

    p1 = spmm(h_a, src_p, dst_p, w_p)
    m1 = _combine(p1)
    p2 = spmm(m1, src_p, dst_p, w_p)
    h_p = _combine(p2)
    return h_p[:N]

# --- scband reference (transcript-rebuilt; emitter-appended) ---
"""Pipeline reference for scband-adj2-gnn-1803886264473 (READ-ONLY COPY).

The authoritative reference and input builder live on the scoring server;
editing this copy changes nothing except your own understanding.
"""

import jax, jax.numpy as jnp
import numpy as np

N_NODES = 10000
D_FEAT = 128
N_EDGES = 320000


def setup_inputs(seed: int = 0) -> dict:
    key = jax.random.key(seed)
    ks = jax.random.split(key, 10)
    seq_a = jax.random.normal(ks[0], (N_NODES, D_FEAT), dtype=jnp.float32)
    edge_index = jax.random.randint(ks[1], (2, N_EDGES), 0, N_NODES, dtype=jnp.int32)
    edge_weight = jax.random.uniform(ks[2], (N_EDGES,), dtype=jnp.float32)
    # learned parameters
    embedding = jax.random.normal(ks[3], (N_NODES, D_FEAT), dtype=jnp.float32)  # nn.Embedding weight
    # MLP per cfg=[128,128]: Linear(128,128) + LeakyReLU(0.1) + Linear(128,128)
    W1 = jax.random.normal(ks[4], (128, D_FEAT), dtype=jnp.float32) * (1.0 / np.sqrt(D_FEAT))
    b1 = jnp.zeros((128,), dtype=jnp.float32)
    W2 = jax.random.normal(ks[5], (128, 128), dtype=jnp.float32) * (1.0 / np.sqrt(128.0))
    b2 = jnp.zeros((128,), dtype=jnp.float32)
    return {"seq_a": seq_a, "edge_index": edge_index, "edge_weight": edge_weight,
            "embedding": embedding, "W1": W1, "b1": b1, "W2": W2, "b2": b2}


def reference(seq_a, edge_index, edge_weight, embedding, W1, b1, W2, b2):
    # forward: seq_a is overwritten by node_embedding(arange(N)) in the torch module
    N = embedding.shape[0]
    x = jnp.take(embedding, jnp.arange(N), axis=0)  # embedding lookup over all nodes
    # F.dropout in eval mode -> identity
    # MLP: Linear -> LeakyReLU(0.1) -> Linear
    h = x @ W1.T + b1
    h = jnp.where(h > 0, h, 0.1 * h)
    h_a = h @ W2.T + b2
    # h_p_0 = dropout(h_a) -> identity in eval
    dst = edge_index[0]
    src = edge_index[1]
    # sparse spmm: out[i] = sum_{(i,j) in E} w_ij * h[j]
    m1 = jax.ops.segment_sum(edge_weight[:, None] * jnp.take(h_a, src, axis=0), dst, num_segments=N)
    h_p = jax.ops.segment_sum(edge_weight[:, None] * jnp.take(m1, src, axis=0), dst, num_segments=N)
    return h_p

if __name__ == "__main__":
    import jax
    _d = setup_inputs()
    print(jax.jit(kernel)(*tuple(_d.values())))

</pallas_src>

<mosaic_0001>
#map = affine_map<(d0, d1) -> (0, 0)>
#map1 = affine_map<(d0, d1) -> (0, 0, 0)>
module attributes {stable_mosaic.version = 14 : i64} {
  func.func @spmm(%arg0: i32, %arg1: i32, %arg2: memref<10000x128xf32, #tpu.memory_space<hbm>>, %arg3: memref<2560x128xi32, #tpu.memory_space<hbm>>, %arg4: memref<2560x128xi32, #tpu.memory_space<hbm>>, %arg5: memref<2560x128xf32, #tpu.memory_space<hbm>>, %arg6: memref<2x10240x128xf32, #tpu.memory_space<hbm>>, %arg7: memref<80x128xi32, #tpu.memory_space<vmem>>, %arg8: memref<80x128xi32, #tpu.memory_space<vmem>>, %arg9: memref<80x128xf32, #tpu.memory_space<vmem>>, %arg10: memref<128x128xf32, #tpu.memory_space<vmem>>, %arg11: memref<10240x128xf32, #tpu.memory_space<vmem_shared>>, %arg12: memref<!tpu.dma_semaphore, #tpu.memory_space<semaphore_mem>>) attributes {dimension_semantics = [#tpu.dimension_semantics<core_parallel>, #tpu.dimension_semantics<subcore_parallel>], iteration_bounds = array<i64: 2, 16>, scalar_prefetch = 0 : i64, scratch_operands = 6 : i64, tpu.core_type = #tpu.core_type<sc_vector_subcore>, window_params = [{transform_indices = #map}, {transform_indices = #map}, {transform_indices = #map}, {transform_indices = #map}, {transform_indices = #map1}]} {
    %mul3A = arith.constant 16 : i32
    %mul3A_0 = arith.muli %arg0, %mul3A : i32
    %add3A = arith.addi %mul3A_0, %arg1 : i32
    %broadcast_in_dim3A = arith.constant 0.000000e+00 : f32
    %broadcast_in_dim3A_1 = vector.broadcast %broadcast_in_dim3A : f32 to vector<16xf32>
    %scan3A = arith.constant 0 : i32
    %scan3A_2 = arith.constant 128 : i32
    %scan3A_3 = arith.addi %scan3A, %scan3A_2 : i32
    %scan3A_4 = arith.constant 1 : i32
    scf.for %scan3A_27 = %scan3A to %scan3A_3 step %scan3A_4  : i32 {
      %mul3A_28 = arith.constant 1 : i32
      %mul3A_29 = arith.muli %scan3A_27, %mul3A_28 : i32
      %add3A_30 = arith.constant 0 : i32
      %add3A_31 = arith.addi %add3A_30, %mul3A_29 : i32
      %swap3A = arith.index_cast %add3A_31 : i32 to index
      %swap3A_32 = arith.constant 0 : index
      %swap3A_33 = tpu.vector_load %arg10[%swap3A, %swap3A_32] {strides = array<i32>} : memref<128x128xf32, #tpu.memory_space<vmem>>, vector<16xf32>,
      tpu.vector_store %arg10[%swap3A, %swap3A_32], %broadcast_in_dim3A_1 {strides = array<i32>} : memref<128x128xf32, #tpu.memory_space<vmem>>, vector<16xf32>,
      %swap3A_34 = arith.index_cast %add3A_31 : i32 to index
      %swap3A_35 = arith.constant 16 : index
      %swap3A_36 = tpu.vector_load %arg10[%swap3A_34, %swap3A_35] {strides = array<i32>} : memref<128x128xf32, #tpu.memory_space<vmem>>, vector<16xf32>,
      tpu.vector_store %arg10[%swap3A_34, %swap3A_35], %broadcast_in_dim3A_1 {strides = array<i32>} : memref<128x128xf32, #tpu.memory_space<vmem>>, vector<16xf32>,
      %swap3A_37 = arith.index_cast %add3A_31 : i32 to index
      %swap3A_38 = arith.constant 32 : index
      %swap3A_39 = tpu.vector_load %arg10[%swap3A_37, %swap3A_38] {strides = array<i32>} : memref<128x128xf32, #tpu.memory_space<vmem>>, vector<16xf32>,
      tpu.vector_store %arg10[%swap3A_37, %swap3A_38], %broadcast_in_dim3A_1 {strides = array<i32>} : memref<128x128xf32, #tpu.memory_space<vmem>>, vector<16xf32>,
      %swap3A_40 = arith.index_cast %add3A_31 : i32 to index
      %swap3A_41 = arith.constant 48 : index
      %swap3A_42 = tpu.vector_load %arg10[%swap3A_40, %swap3A_41] {strides = array<i32>} : memref<128x128xf32, #tpu.memory_space<vmem>>, vector<16xf32>,
      tpu.vector_store %arg10[%swap3A_40, %swap3A_41], %broadcast_in_dim3A_1 {strides = array<i32>} : memref<128x128xf32, #tpu.memory_space<vmem>>, vector<16xf32>,
      %swap3A_43 = arith.index_cast %add3A_31 : i32 to index
      %swap3A_44 = arith.constant 64 : index
      %swap3A_45 = tpu.vector_load %arg10[%swap3A_43, %swap3A_44] {strides = array<i32>} : memref<128x128xf32, #tpu.memory_space<vmem>>, vector<16xf32>,
      tpu.vector_store %arg10[%swap3A_43, %swap3A_44], %broadcast_in_dim3A_1 {strides = array<i32>} : memref<128x128xf32, #tpu.memory_space<vmem>>, vector<16xf32>,
      %swap3A_46 = arith.index_cast %add3A_31 : i32 to index
      %swap3A_47 = arith.constant 80 : index
      %swap3A_48 = tpu.vector_load %arg10[%swap3A_46, %swap3A_47] {strides = array<i32>} : memref<128x128xf32, #tpu.memory_space<vmem>>, vector<16xf32>,
      tpu.vector_store %arg10[%swap3A_46, %swap3A_47], %broadcast_in_dim3A_1 {strides = array<i32>} : memref<128x128xf32, #tpu.memory_space<vmem>>, vector<16xf32>,
      %swap3A_49 = arith.index_cast %add3A_31 : i32 to index
      %swap3A_50 = arith.constant 96 : index
      %swap3A_51 = tpu.vector_load %arg10[%swap3A_49, %swap3A_50] {strides = array<i32>} : memref<128x128xf32, #tpu.memory_space<vmem>>, vector<16xf32>,
      tpu.vector_store %arg10[%swap3A_49, %swap3A_50], %broadcast_in_dim3A_1 {strides = array<i32>} : memref<128x128xf32, #tpu.memory_space<vmem>>, vector<16xf32>,
      %swap3A_52 = arith.index_cast %add3A_31 : i32 to index
      %swap3A_53 = arith.constant 112 : index
      %swap3A_54 = tpu.vector_load %arg10[%swap3A_52, %swap3A_53] {strides = array<i32>} : memref<128x128xf32, #tpu.memory_space<vmem>>, vector<16xf32>,
      tpu.vector_store %arg10[%swap3A_52, %swap3A_53], %broadcast_in_dim3A_1 {strides = array<i32>} : memref<128x128xf32, #tpu.memory_space<vmem>>, vector<16xf32>,
    }
    %scan3A_5 = arith.constant 128 : i32
    %scan3A_6 = arith.constant 0 : i32
    %scan3A_7 = arith.constant 5 : i32
    %scan3A_8 = arith.addi %scan3A_6, %scan3A_7 : i32
    %scan3A_9 = arith.constant 1 : i32
    scf.for %scan3A_27 = %scan3A_6 to %scan3A_8 step %scan3A_9  : i32 {
      %mul3A_28 = arith.constant 1 : i32
      %mul3A_29 = arith.muli %scan3A_27, %mul3A_28 : i32
      %add3A_30 = arith.constant 0 : i32
      %add3A_31 = arith.addi %add3A_30, %mul3A_29 : i32
      %mul3A_32 = arith.constant 640 : i32
      %mul3A_33 = arith.muli %arg1, %mul3A_32 : i32
      %mul3A_34 = arith.constant 128 : i32
      %mul3A_35 = arith.muli %add3A_31, %mul3A_34 : i32
      %add3A_36 = arith.addi %mul3A_33, %mul3A_35 : i32
      "tpu.region"() ({
        %run_scoped3A = tpu.sem_alloc : memref<!tpu.dma_semaphore, #tpu.memory_space<semaphore_mem>>
        %dma_start3A = arith.constant 0 : i32
        %dma_start3A_37 = tpu.memref_slice %arg11[%add3A_36, %dma_start3A] : memref<10240x128xf32, #tpu.memory_space<vmem_shared>> -> memref<128x128xf32, #tpu.memory_space<vmem_shared>>
        %dma_start3A_38 = arith.constant 0 : i32
        %dma_start3A_39 = tpu.memref_slice %arg11[%add3A_36, %dma_start3A_38] : memref<10240x128xf32, #tpu.memory_space<vmem_shared>> -> memref<128x128xf32, #tpu.memory_space<vmem_shared>>
        tpu.enqueue_dma source(%arg10 : memref<128x128xf32, #tpu.memory_space<vmem>>) target(%dma_start3A_39 : memref<128x128xf32, #tpu.memory_space<vmem_shared>>) target_semaphore(%run_scoped3A : memref<!tpu.dma_semaphore, #tpu.memory_space<semaphore_mem>>)
        %dma_wait3A = arith.constant 0 : i32
        %dma_wait3A_40 = tpu.memref_slice %arg11[%add3A_36, %dma_wait3A] : memref<10240x128xf32, #tpu.memory_space<vmem_shared>> -> memref<128x128xf32, #tpu.memory_space<vmem_shared>>
        %dma_wait3A_41 = arith.constant 0 : i32
        %dma_wait3A_42 = tpu.memref_slice %arg11[%add3A_36, %dma_wait3A_41] : memref<10240x128xf32, #tpu.memory_space<vmem_shared>> -> memref<128x128xf32, #tpu.memory_space<vmem_shared>>
        tpu.wait_dma2 semaphore(%run_scoped3A : memref<!tpu.dma_semaphore, #tpu.memory_space<semaphore_mem>>) src(%arg10 : memref<128x128xf32, #tpu.memory_space<vmem>>) dst(%dma_wait3A_42 : memref<128x128xf32, #tpu.memory_space<vmem_shared>>)
        tpu.yield
      }) : () -> ()
    }
    %scan3A_10 = arith.constant 5 : i32
    %mul3A_11 = arith.constant 80 : i32
    %mul3A_12 = arith.muli %add3A, %mul3A_11 : i32
    "tpu.region"() ({
      %run_scoped3A = tpu.sem_alloc : memref<!tpu.dma_semaphore, #tpu.memory_space<semaphore_mem>>
      %dma_start3A = arith.constant 0 : i32
      %dma_start3A_27 = tpu.memref_slice %arg3[%mul3A_12, %dma_start3A] : memref<2560x128xi32, #tpu.memory_space<hbm>> -> memref<80x128xi32, #tpu.memory_space<hbm>>
      %dma_start3A_28 = arith.constant 0 : i32
      %dma_start3A_29 = tpu.memref_slice %arg3[%mul3A_12, %dma_start3A_28] : memref<2560x128xi32, #tpu.memory_space<hbm>> -> memref<80x128xi32, #tpu.memory_space<hbm>>
      tpu.enqueue_dma source(%dma_start3A_29 : memref<80x128xi32, #tpu.memory_space<hbm>>) target(%arg7 : memref<80x128xi32, #tpu.memory_space<vmem>>) target_semaphore(%run_scoped3A : memref<!tpu.dma_semaphore, #tpu.memory_space<semaphore_mem>>)
      %dma_wait3A = arith.constant 0 : i32
      %dma_wait3A_30 = tpu.memref_slice %arg3[%mul3A_12, %dma_wait3A] : memref<2560x128xi32, #tpu.memory_space<hbm>> -> memref<80x128xi32, #tpu.memory_space<hbm>>
      %dma_wait3A_31 = arith.constant 0 : i32
      %dma_wait3A_32 = tpu.memref_slice %arg3[%mul3A_12, %dma_wait3A_31] : memref<2560x128xi32, #tpu.memory_space<hbm>> -> memref<80x128xi32, #tpu.memory_space<hbm>>
      tpu.wait_dma2 semaphore(%run_scoped3A : memref<!tpu.dma_semaphore, #tpu.memory_space<semaphore_mem>>) src(%dma_wait3A_32 : memref<80x128xi32, #tpu.memory_space<hbm>>) dst(%arg7 : memref<80x128xi32, #tpu.memory_space<vmem>>)
      tpu.yield
    }) : () -> ()
    %mul3A_13 = arith.constant 80 : i32
    %mul3A_14 = arith.muli %add3A, %mul3A_13 : i32
    "tpu.region"() ({
      %run_scoped3A = tpu.sem_alloc : memref<!tpu.dma_semaphore, #tpu.memory_space<semaphore_mem>>
      %dma_start3A = arith.constant 0 : i32
      %dma_start3A_27 = tpu.memref_slice %arg4[%mul3A_14, %dma_start3A] : memref<2560x128xi32, #tpu.memory_space<hbm>> -> memref<80x128xi32, #tpu.memory_space<hbm>>
      %dma_start3A_28 = arith.constant 0 : i32
      %dma_start3A_29 = tpu.memref_slice %arg4[%mul3A_14, %dma_start3A_28] : memref<2560x128xi32, #tpu.memory_space<hbm>> -> memref<80x128xi32, #tpu.memory_space<hbm>>
      tpu.enqueue_dma source(%dma_start3A_29 : memref<80x128xi32, #tpu.memory_space<hbm>>) target(%arg8 : memref<80x128xi32, #tpu.memory_space<vmem>>) target_semaphore(%run_scoped3A : memref<!tpu.dma_semaphore, #tpu.memory_space<semaphore_mem>>)
      %dma_wait3A = arith.constant 0 : i32
      %dma_wait3A_30 = tpu.memref_slice %arg4[%mul3A_14, %dma_wait3A] : memref<2560x128xi32, #tpu.memory_space<hbm>> -> memref<80x128xi32, #tpu.memory_space<hbm>>
      %dma_wait3A_31 = arith.constant 0 : i32
      %dma_wait3A_32 = tpu.memref_slice %arg4[%mul3A_14, %dma_wait3A_31] : memref<2560x128xi32, #tpu.memory_space<hbm>> -> memref<80x128xi32, #tpu.memory_space<hbm>>
      tpu.wait_dma2 semaphore(%run_scoped3A : memref<!tpu.dma_semaphore, #tpu.memory_space<semaphore_mem>>) src(%dma_wait3A_32 : memref<80x128xi32, #tpu.memory_space<hbm>>) dst(%arg8 : memref<80x128xi32, #tpu.memory_space<vmem>>)
      tpu.yield
    }) : () -> ()
    %mul3A_15 = arith.constant 80 : i32
    %mul3A_16 = arith.muli %add3A, %mul3A_15 : i32
    "tpu.region"() ({
      %run_scoped3A = tpu.sem_alloc : memref<!tpu.dma_semaphore, #tpu.memory_space<semaphore_mem>>
      %dma_start3A = arith.constant 0 : i32
      %dma_start3A_27 = tpu.memref_slice %arg5[%mul3A_16, %dma_start3A] : memref<2560x128xf32, #tpu.memory_space<hbm>> -> memref<80x128xf32, #tpu.memory_space<hbm>>
      %dma_start3A_28 = arith.constant 0 : i32
      %dma_start3A_29 = tpu.memref_slice %arg5[%mul3A_16, %dma_start3A_28] : memref<2560x128xf32, #tpu.memory_space<hbm>> -> memref<80x128xf32, #tpu.memory_space<hbm>>
      tpu.enqueue_dma source(%dma_start3A_29 : memref<80x128xf32, #tpu.memory_space<hbm>>) target(%arg9 : memref<80x128xf32, #tpu.memory_space<vmem>>) target_semaphore(%run_scoped3A : memref<!tpu.dma_semaphore, #tpu.memory_space<semaphore_mem>>)
      %dma_wait3A = arith.constant 0 : i32
      %dma_wait3A_30 = tpu.memref_slice %arg5[%mul3A_16, %dma_wait3A] : memref<2560x128xf32, #tpu.memory_space<hbm>> -> memref<80x128xf32, #tpu.memory_space<hbm>>
      %dma_wait3A_31 = arith.constant 0 : i32
      %dma_wait3A_32 = tpu.memref_slice %arg5[%mul3A_16, %dma_wait3A_31] : memref<2560x128xf32, #tpu.memory_space<hbm>> -> memref<80x128xf32, #tpu.memory_space<hbm>>
      tpu.wait_dma2 semaphore(%run_scoped3A : memref<!tpu.dma_semaphore, #tpu.memory_space<semaphore_mem>>) src(%dma_wait3A_32 : memref<80x128xf32, #tpu.memory_space<hbm>>) dst(%arg9 : memref<80x128xf32, #tpu.memory_space<vmem>>)
      tpu.yield
    }) : () -> ()
    %barrier3A = arith.constant 0 : index
    tpu.barrier barrier_id(%barrier3A)
    %scan3A_17 = arith.constant 0 : i32
    %scan3A_18 = arith.constant 80 : i32
    %scan3A_19 = arith.addi %scan3A_17, %scan3A_18 : i32
    %scan3A_20 = arith.constant 1 : i32
    scf.for %scan3A_27 = %scan3A_17 to %scan3A_19 step %scan3A_20  : i32 {
      %mul3A_28 = arith.constant 1 : i32
      %mul3A_29 = arith.muli %scan3A_27, %mul3A_28 : i32
      %add3A_30 = arith.constant 0 : i32
      %add3A_31 = arith.addi %add3A_30, %mul3A_29 : i32
      %dma_start3A = arith.constant 0 : i32
      %dma_start3A_32 = tpu.memref_slice %arg7[%add3A_31, %dma_start3A] : memref<80x128xi32, #tpu.memory_space<vmem>> -> memref<1x128xi32, #tpu.memory_space<vmem>>
      %dma_start3A_33 = tpu.memref_squeeze %dma_start3A_32 : memref<1x128xi32, #tpu.memory_space<vmem>> -> memref<128xi32, #tpu.memory_space<vmem>>
      %dma_start3A_34 = arith.constant 0 : i32
      %dma_start3A_35 = arith.constant 0 : i32
      %dma_start3A_36 = tpu.memref_slice %arg2[%dma_start3A_34, %dma_start3A_35] : memref<10000x128xf32, #tpu.memory_space<hbm>> -> memref<10000x128xf32, #tpu.memory_space<hbm>>
      tpu.enqueue_indirect_dma source(%dma_start3A_36 : memref<10000x128xf32, #tpu.memory_space<hbm>>) target(%arg10 : memref<128x128xf32, #tpu.memory_space<vmem>>) offsets(%dma_start3A_33 : memref<128xi32, #tpu.memory_space<vmem>>) semaphore(%arg12 : memref<!tpu.dma_semaphore, #tpu.memory_space<semaphore_mem>>)
      %dma_wait3A = arith.constant 0 : i32
      %dma_wait3A_37 = tpu.memref_slice %arg7[%add3A_31, %dma_wait3A] : memref<80x128xi32, #tpu.memory_space<vmem>> -> memref<1x128xi32, #tpu.memory_space<vmem>>
      %dma_wait3A_38 = tpu.memref_squeeze %dma_wait3A_37 : memref<1x128xi32, #tpu.memory_space<vmem>> -> memref<128xi32, #tpu.memory_space<vmem>>
      %dma_wait3A_39 = arith.constant 0 : i32
      %dma_wait3A_40 = arith.constant 0 : i32
      %dma_wait3A_41 = tpu.memref_slice %arg2[%dma_wait3A_39, %dma_wait3A_40] : memref<10000x128xf32, #tpu.memory_space<hbm>> -> memref<10000x128xf32, #tpu.memory_space<hbm>>
      tpu.wait_indirect_dma semaphore(%arg12 : memref<!tpu.dma_semaphore, #tpu.memory_space<semaphore_mem>>) src(%dma_wait3A_41 : memref<10000x128xf32, #tpu.memory_space<hbm>>) dst(%arg10 : memref<128x128xf32, #tpu.memory_space<vmem>>)
      %scan3A_42 = arith.constant 0 : i32
      %scan3A_43 = arith.constant 128 : i32
      %scan3A_44 = arith.addi %scan3A_42, %scan3A_43 : i32
      %scan3A_45 = arith.constant 1 : i32
      scf.for %scan3A_47 = %scan3A_42 to %scan3A_44 step %scan3A_45  : i32 {
        %mul3A_48 = arith.constant 1 : i32
        %mul3A_49 = arith.muli %scan3A_47, %mul3A_48 : i32
        %add3A_50 = arith.constant 0 : i32
        %add3A_51 = arith.addi %add3A_50, %mul3A_49 : i32
        %broadcast_in_dim3A_52 = vector.broadcast %add3A_31 : i32 to vector<16xi32>
        %broadcast_in_dim3A_53 = vector.broadcast %add3A_51 : i32 to vector<16xi32>
        %gather3A = tpu.vector_load_idx %arg9[%broadcast_in_dim3A_52, %broadcast_in_dim3A_53] : memref<80x128xf32, #tpu.memory_space<vmem>>[vector<16xi32>, vector<16xi32>], vector<16xf32>,
        %get3A = arith.index_cast %add3A_51 : i32 to index
        %get3A_54 = arith.constant 0 : index
        %get3A_55 = tpu.vector_load %arg10[%get3A, %get3A_54] {strides = array<i32>} : memref<128x128xf32, #tpu.memory_space<vmem>>, vector<16xf32>,
        %mul3A_56 = arith.mulf %get3A_55, %gather3A : vector<16xf32>
        %swap3A = arith.index_cast %add3A_51 : i32 to index
        %swap3A_57 = arith.constant 0 : index
        %swap3A_58 = tpu.vector_load %arg10[%swap3A, %swap3A_57] {strides = array<i32>} : memref<128x128xf32, #tpu.memory_space<vmem>>, vector<16xf32>,
        tpu.vector_store %arg10[%swap3A, %swap3A_57], %mul3A_56 {strides = array<i32>} : memref<128x128xf32, #tpu.memory_space<vmem>>, vector<16xf32>,
        %get3A_59 = arith.index_cast %add3A_51 : i32 to index
        %get3A_60 = arith.constant 16 : index
        %get3A_61 = tpu.vector_load %arg10[%get3A_59, %get3A_60] {strides = array<i32>} : memref<128x128xf32, #tpu.memory_space<vmem>>, vector<16xf32>,
        %mul3A_62 = arith.mulf %get3A_61, %gather3A : vector<16xf32>
        %swap3A_63 = arith.index_cast %add3A_51 : i32 to index
        %swap3A_64 = arith.constant 16 : index
        %swap3A_65 = tpu.vector_load %arg10[%swap3A_63, %swap3A_64] {strides = array<i32>} : memref<128x128xf32, #tpu.memory_space<vmem>>, vector<16xf32>,
        tpu.vector_store %arg10[%swap3A_63, %swap3A_64], %mul3A_62 {strides = array<i32>} : memref<128x128xf32, #tpu.memory_space<vmem>>, vector<16xf32>,
        %get3A_66 = arith.index_cast %add3A_51 : i32 to index
        %get3A_67 = arith.constant 32 : index
        %get3A_68 = tpu.vector_load %arg10[%get3A_66, %get3A_67] {strides = array<i32>} : memref<128x128xf32, #tpu.memory_space<vmem>>, vector<16xf32>,
        %mul3A_69 = arith.mulf %get3A_68, %gather3A : vector<16xf32>
        %swap3A_70 = arith.index_cast %add3A_51 : i32 to index
        %swap3A_71 = arith.constant 32 : index
        %swap3A_72 = tpu.vector_load %arg10[%swap3A_70, %swap3A_71] {strides = array<i32>} : memref<128x128xf32, #tpu.memory_space<vmem>>, vector<16xf32>,
        tpu.vector_store %arg10[%swap3A_70, %swap3A_71], %mul3A_69 {strides = array<i32>} : memref<128x128xf32, #tpu.memory_space<vmem>>, vector<16xf32>,
        %get3A_73 = arith.index_cast %add3A_51 : i32 to index
        %get3A_74 = arith.constant 48 : index
        %get3A_75 = tpu.vector_load %arg10[%get3A_73, %get3A_74] {strides = array<i32>} : memref<128x128xf32, #tpu.memory_space<vmem>>, vector<16xf32>,
        %mul3A_76 = arith.mulf %get3A_75, %gather3A : vector<16xf32>
        %swap3A_77 = arith.index_cast %add3A_51 : i32 to index
        %swap3A_78 = arith.constant 48 : index
        %swap3A_79 = tpu.vector_load %arg10[%swap3A_77, %swap3A_78] {strides = array<i32>} : memref<128x128xf32, #tpu.memory_space<vmem>>, vector<16xf32>,
        tpu.vector_store %arg10[%swap3A_77, %swap3A_78], %mul3A_76 {strides = array<i32>} : memref<128x128xf32, #tpu.memory_space<vmem>>, vector<16xf32>,
        %get3A_80 = arith.index_cast %add3A_51 : i32 to index
        %get3A_81 = arith.constant 64 : index
        %get3A_82 = tpu.vector_load %arg10[%get3A_80, %get3A_81] {strides = array<i32>} : memref<128x128xf32, #tpu.memory_space<vmem>>, vector<16xf32>,
        %mul3A_83 = arith.mulf %get3A_82, %gather3A : vector<16xf32>
        %swap3A_84 = arith.index_cast %add3A_51 : i32 to index
        %swap3A_85 = arith.constant 64 : index
        %swap3A_86 = tpu.vector_load %arg10[%swap3A_84, %swap3A_85] {strides = array<i32>} : memref<128x128xf32, #tpu.memory_space<vmem>>, vector<16xf32>,
        tpu.vector_store %arg10[%swap3A_84, %swap3A_85], %mul3A_83 {strides = array<i32>} : memref<128x128xf32, #tpu.memory_space<vmem>>, vector<16xf32>,
        %get3A_87 = arith.index_cast %add3A_51 : i32 to index
        %get3A_88 = arith.constant 80 : index
        %get3A_89 = tpu.vector_load %arg10[%get3A_87, %get3A_88] {strides = array<i32>} : memref<128x128xf32, #tpu.memory_space<vmem>>, vector<16xf32>,
        %mul3A_90 = arith.mulf %get3A_89, %gather3A : vector<16xf32>
        %swap3A_91 = arith.index_cast %add3A_51 : i32 to index
        %swap3A_92 = arith.constant 80 : index
        %swap3A_93 = tpu.vector_load %arg10[%swap3A_91, %swap3A_92] {strides = array<i32>} : memref<128x128xf32, #tpu.memory_space<vmem>>, vector<16xf32>,
        tpu.vector_store %arg10[%swap3A_91, %swap3A_92], %mul3A_90 {strides = array<i32>} : memref<128x128xf32, #tpu.memory_space<vmem>>, vector<16xf32>,
        %get3A_94 = arith.index_cast %add3A_51 : i32 to index
        %get3A_95 = arith.constant 96 : index
        %get3A_96 = tpu.vector_load %arg10[%get3A_94, %get3A_95] {strides = array<i32>} : memref<128x128xf32, #tpu.memory_space<vmem>>, vector<16xf32>,
        %mul3A_97 = arith.mulf %get3A_96, %gather3A : vector<16xf32>
        %swap3A_98 = arith.index_cast %add3A_51 : i32 to index
        %swap3A_99 = arith.constant 96 : index
        %swap3A_100 = tpu.vector_load %arg10[%swap3A_98, %swap3A_99] {strides = array<i32>} : memref<128x128xf32, #tpu.memory_space<vmem>>, vector<16xf32>,
        tpu.vector_store %arg10[%swap3A_98, %swap3A_99], %mul3A_97 {strides = array<i32>} : memref<128x128xf32, #tpu.memory_space<vmem>>, vector<16xf32>,
        %get3A_101 = arith.index_cast %add3A_51 : i32 to index
        %get3A_102 = arith.constant 112 : index
        %get3A_103 = tpu.vector_load %arg10[%get3A_101, %get3A_102] {strides = array<i32>} : memref<128x128xf32, #tpu.memory_space<vmem>>, vector<16xf32>,
        %mul3A_104 = arith.mulf %get3A_103, %gather3A : vector<16xf32>
        %swap3A_105 = arith.index_cast %add3A_51 : i32 to index
        %swap3A_106 = arith.constant 112 : index
        %swap3A_107 = tpu.vector_load %arg10[%swap3A_105, %swap3A_106] {strides = array<i32>} : memref<128x128xf32, #tpu.memory_space<vmem>>, vector<16xf32>,
        tpu.vector_store %arg10[%swap3A_105, %swap3A_106], %mul3A_104 {strides = array<i32>} : memref<128x128xf32, #tpu.memory_space<vmem>>, vector<16xf32>,
      }
      %scan3A_46 = arith.constant 128 : i32
      "tpu.region"() ({
        %run_scoped3A = tpu.sem_alloc : memref<!tpu.dma_semaphore, #tpu.memory_space<semaphore_mem>>
        %dma_start3A_47 = arith.constant 0 : i32
        %dma_start3A_48 = tpu.memref_slice %arg8[%add3A_31, %dma_start3A_47] : memref<80x128xi32, #tpu.memory_space<vmem>> -> memref<1x128xi32, #tpu.memory_space<vmem>>
        %dma_start3A_49 = tpu.memref_squeeze %dma_start3A_48 : memref<1x128xi32, #tpu.memory_space<vmem>> -> memref<128xi32, #tpu.memory_space<vmem>>
        %dma_start3A_50 = arith.constant 0 : i32
        %dma_start3A_51 = arith.constant 0 : i32
        %dma_start3A_52 = tpu.memref_slice %arg11[%dma_start3A_50, %dma_start3A_51] : memref<10240x128xf32, #tpu.memory_space<vmem_shared>> -> memref<10240x128xf32, #tpu.memory_space<vmem_shared>>
        tpu.enqueue_indirect_dma source(%arg10 : memref<128x128xf32, #tpu.memory_space<vmem>>) target(%dma_start3A_52 : memref<10240x128xf32, #tpu.memory_space<vmem_shared>>) offsets(%dma_start3A_49 : memref<128xi32, #tpu.memory_space<vmem>>) semaphore(%run_scoped3A : memref<!tpu.dma_semaphore, #tpu.memory_space<semaphore_mem>>) {add = true}
        %dma_wait3A_53 = arith.constant 0 : i32
        %dma_wait3A_54 = tpu.memref_slice %arg8[%add3A_31, %dma_wait3A_53] : memref<80x128xi32, #tpu.memory_space<vmem>> -> memref<1x128xi32, #tpu.memory_space<vmem>>
        %dma_wait3A_55 = tpu.memref_squeeze %dma_wait3A_54 : memref<1x128xi32, #tpu.memory_space<vmem>> -> memref<128xi32, #tpu.memory_space<vmem>>
        %dma_wait3A_56 = arith.constant 0 : i32
        %dma_wait3A_57 = arith.constant 0 : i32
        %dma_wait3A_58 = tpu.memref_slice %arg11[%dma_wait3A_56, %dma_wait3A_57] : memref<10240x128xf32, #tpu.memory_space<vmem_shared>> -> memref<10240x128xf32, #tpu.memory_space<vmem_shared>>
        tpu.wait_indirect_dma semaphore(%run_scoped3A : memref<!tpu.dma_semaphore, #tpu.memory_space<semaphore_mem>>) src(%arg10 : memref<128x128xf32, #tpu.memory_space<vmem>>) dst(%dma_wait3A_58 : memref<10240x128xf32, #tpu.memory_space<vmem_shared>>)
        tpu.yield
      }) : () -> ()
    }
    %scan3A_21 = arith.constant 80 : i32
    %barrier3A_22 = arith.constant 0 : index
    tpu.barrier barrier_id(%barrier3A_22)
    %mul3A_23 = arith.constant 640 : i32
    %mul3A_24 = arith.muli %arg1, %mul3A_23 : i32
    %mul3A_25 = arith.constant 640 : i32
    %mul3A_26 = arith.muli %arg1, %mul3A_25 : i32
    "tpu.region"() ({
      %run_scoped3A = tpu.sem_alloc : memref<!tpu.dma_semaphore, #tpu.memory_space<semaphore_mem>>
      %dma_start3A = arith.constant 0 : i32
      %dma_start3A_27 = arith.constant 0 : i32
      %dma_start3A_28 = tpu.memref_slice %arg6[%arg0, %dma_start3A, %dma_start3A_27] : memref<2x10240x128xf32, #tpu.memory_space<hbm>> -> memref<1x10240x128xf32, #tpu.memory_space<hbm>>
      %dma_start3A_29 = tpu.memref_squeeze %dma_start3A_28 : memref<1x10240x128xf32, #tpu.memory_space<hbm>> -> memref<10240x128xf32, #tpu.memory_space<hbm>>
      %dma_start3A_30 = arith.constant 0 : i32
      %dma_start3A_31 = tpu.memref_slice %dma_start3A_29[%mul3A_26, %dma_start3A_30] : memref<10240x128xf32, #tpu.memory_space<hbm>> -> memref<640x128xf32, #tpu.memory_space<hbm>>
      %dma_start3A_32 = arith.constant 0 : i32
      %dma_start3A_33 = tpu.memref_slice %arg11[%mul3A_24, %dma_start3A_32] : memref<10240x128xf32, #tpu.memory_space<vmem_shared>> -> memref<640x128xf32, #tpu.memory_space<vmem_shared>>
      tpu.enqueue_dma source(%dma_start3A_33 : memref<640x128xf32, #tpu.memory_space<vmem_shared>>) target(%dma_start3A_31 : memref<640x128xf32, #tpu.memory_space<hbm>>) target_semaphore(%run_scoped3A : memref<!tpu.dma_semaphore, #tpu.memory_space<semaphore_mem>>)
      %dma_wait3A = arith.constant 0 : i32
      %dma_wait3A_34 = arith.constant 0 : i32
      %dma_wait3A_35 = tpu.memref_slice %arg6[%arg0, %dma_wait3A, %dma_wait3A_34] : memref<2x10240x128xf32, #tpu.memory_space<hbm>> -> memref<1x10240x128xf32, #tpu.memory_space<hbm>>
      %dma_wait3A_36 = tpu.memref_squeeze %dma_wait3A_35 : memref<1x10240x128xf32, #tpu.memory_space<hbm>> -> memref<10240x128xf32, #tpu.memory_space<hbm>>
      %dma_wait3A_37 = arith.constant 0 : i32
      %dma_wait3A_38 = tpu.memref_slice %dma_wait3A_36[%mul3A_26, %dma_wait3A_37] : memref<10240x128xf32, #tpu.memory_space<hbm>> -> memref<640x128xf32, #tpu.memory_space<hbm>>
      %dma_wait3A_39 = arith.constant 0 : i32
      %dma_wait3A_40 = tpu.memref_slice %arg11[%mul3A_24, %dma_wait3A_39] : memref<10240x128xf32, #tpu.memory_space<vmem_shared>> -> memref<640x128xf32, #tpu.memory_space<vmem_shared>>
      tpu.wait_dma2 semaphore(%run_scoped3A : memref<!tpu.dma_semaphore, #tpu.memory_space<semaphore_mem>>) src(%dma_wait3A_40 : memref<640x128xf32, #tpu.memory_space<vmem_shared>>) dst(%dma_wait3A_38 : memref<640x128xf32, #tpu.memory_space<hbm>>)
      tpu.yield
    }) : () -> ()
    return
  }
}

#map = affine_map<(d0, d1) -> (0, 0)>
#map1 = affine_map<(d0, d1) -> (0, 0, 0)>
module attributes {stable_mosaic.version = 14 : i64} {
  func.func @spmm(%arg0: i32, %arg1: i32, %arg2: memref<10240x128xf32, #tpu.memory_space<hbm>>, %arg3: memref<2560x128xi32, #tpu.memory_space<hbm>>, %arg4: memref<2560x128xi32, #tpu.memory_space<hbm>>, %arg5: memref<2560x128xf32, #tpu.memory_space<hbm>>, %arg6: memref<2x10240x128xf32, #tpu.memory_space<hbm>>, %arg7: memref<80x128xi32, #tpu.memory_space<vmem>>, %arg8: memref<80x128xi32, #tpu.memory_space<vmem>>, %arg9: memref<80x128xf32, #tpu.memory_space<vmem>>, %arg10: memref<128x128xf32, #tpu.memory_space<vmem>>, %arg11: memref<10240x128xf32, #tpu.memory_space<vmem_shared>>, %arg12: memref<!tpu.dma_semaphore, #tpu.memory_space<semaphore_mem>>) attributes {dimension_semantics = [#tpu.dimension_semantics<core_parallel>, #tpu.dimension_semantics<subcore_parallel>], iteration_bounds = array<i64: 2, 16>, scalar_prefetch = 0 : i64, scratch_operands = 6 : i64, tpu.core_type = #tpu.core_type<sc_vector_subcore>, window_params = [{transform_indices = #map}, {transform_indices = #map}, {transform_indices = #map}, {transform_indices = #map}, {transform_indices = #map1}]} {
    %mul3A = arith.constant 16 : i32
    %mul3A_0 = arith.muli %arg0, %mul3A : i32
    %add3A = arith.addi %mul3A_0, %arg1 : i32
    %broadcast_in_dim3A = arith.constant 0.000000e+00 : f32
    %broadcast_in_dim3A_1 = vector.broadcast %broadcast_in_dim3A : f32 to vector<16xf32>
    %scan3A = arith.constant 0 : i32
    %scan3A_2 = arith.constant 128 : i32
    %scan3A_3 = arith.addi %scan3A, %scan3A_2 : i32
    %scan3A_4 = arith.constant 1 : i32
    scf.for %scan3A_27 = %scan3A to %scan3A_3 step %scan3A_4  : i32 {
      %mul3A_28 = arith.constant 1 : i32
      %mul3A_29 = arith.muli %scan3A_27, %mul3A_28 : i32
      %add3A_30 = arith.constant 0 : i32
      %add3A_31 = arith.addi %add3A_30, %mul3A_29 : i32
      %swap3A = arith.index_cast %add3A_31 : i32 to index
      %swap3A_32 = arith.constant 0 : index
      %swap3A_33 = tpu.vector_load %arg10[%swap3A, %swap3A_32] {strides = array<i32>} : memref<128x128xf32, #tpu.memory_space<vmem>>, vector<16xf32>,
      tpu.vector_store %arg10[%swap3A, %swap3A_32], %broadcast_in_dim3A_1 {strides = array<i32>} : memref<128x128xf32, #tpu.memory_space<vmem>>, vector<16xf32>,
      %swap3A_34 = arith.index_cast %add3A_31 : i32 to index
      %swap3A_35 = arith.constant 16 : index
      %swap3A_36 = tpu.vector_load %arg10[%swap3A_34, %swap3A_35] {strides = array<i32>} : memref<128x128xf32, #tpu.memory_space<vmem>>, vector<16xf32>,
      tpu.vector_store %arg10[%swap3A_34, %swap3A_35], %broadcast_in_dim3A_1 {strides = array<i32>} : memref<128x128xf32, #tpu.memory_space<vmem>>, vector<16xf32>,
      %swap3A_37 = arith.index_cast %add3A_31 : i32 to index
      %swap3A_38 = arith.constant 32 : index
      %swap3A_39 = tpu.vector_load %arg10[%swap3A_37, %swap3A_38] {strides = array<i32>} : memref<128x128xf32, #tpu.memory_space<vmem>>, vector<16xf32>,
      tpu.vector_store %arg10[%swap3A_37, %swap3A_38], %broadcast_in_dim3A_1 {strides = array<i32>} : memref<128x128xf32, #tpu.memory_space<vmem>>, vector<16xf32>,
      %swap3A_40 = arith.index_cast %add3A_31 : i32 to index
      %swap3A_41 = arith.constant 48 : index
      %swap3A_42 = tpu.vector_load %arg10[%swap3A_40, %swap3A_41] {strides = array<i32>} : memref<128x128xf32, #tpu.memory_space<vmem>>, vector<16xf32>,
      tpu.vector_store %arg10[%swap3A_40, %swap3A_41], %broadcast_in_dim3A_1 {strides = array<i32>} : memref<128x128xf32, #tpu.memory_space<vmem>>, vector<16xf32>,
      %swap3A_43 = arith.index_cast %add3A_31 : i32 to index
      %swap3A_44 = arith.constant 64 : index
      %swap3A_45 = tpu.vector_load %arg10[%swap3A_43, %swap3A_44] {strides = array<i32>} : memref<128x128xf32, #tpu.memory_space<vmem>>, vector<16xf32>,
      tpu.vector_store %arg10[%swap3A_43, %swap3A_44], %broadcast_in_dim3A_1 {strides = array<i32>} : memref<128x128xf32, #tpu.memory_space<vmem>>, vector<16xf32>,
      %swap3A_46 = arith.index_cast %add3A_31 : i32 to index
      %swap3A_47 = arith.constant 80 : index
      %swap3A_48 = tpu.vector_load %arg10[%swap3A_46, %swap3A_47] {strides = array<i32>} : memref<128x128xf32, #tpu.memory_space<vmem>>, vector<16xf32>,
      tpu.vector_store %arg10[%swap3A_46, %swap3A_47], %broadcast_in_dim3A_1 {strides = array<i32>} : memref<128x128xf32, #tpu.memory_space<vmem>>, vector<16xf32>,
      %swap3A_49 = arith.index_cast %add3A_31 : i32 to index
      %swap3A_50 = arith.constant 96 : index
      %swap3A_51 = tpu.vector_load %arg10[%swap3A_49, %swap3A_50] {strides = array<i32>} : memref<128x128xf32, #tpu.memory_space<vmem>>, vector<16xf32>,
      tpu.vector_store %arg10[%swap3A_49, %swap3A_50], %broadcast_in_dim3A_1 {strides = array<i32>} : memref<128x128xf32, #tpu.memory_space<vmem>>, vector<16xf32>,
      %swap3A_52 = arith.index_cast %add3A_31 : i32 to index
      %swap3A_53 = arith.constant 112 : index
      %swap3A_54 = tpu.vector_load %arg10[%swap3A_52, %swap3A_53] {strides = array<i32>} : memref<128x128xf32, #tpu.memory_space<vmem>>, vector<16xf32>,
      tpu.vector_store %arg10[%swap3A_52, %swap3A_53], %broadcast_in_dim3A_1 {strides = array<i32>} : memref<128x128xf32, #tpu.memory_space<vmem>>, vector<16xf32>,
    }
    %scan3A_5 = arith.constant 128 : i32
    %scan3A_6 = arith.constant 0 : i32
    %scan3A_7 = arith.constant 5 : i32
    %scan3A_8 = arith.addi %scan3A_6, %scan3A_7 : i32
    %scan3A_9 = arith.constant 1 : i32
    scf.for %scan3A_27 = %scan3A_6 to %scan3A_8 step %scan3A_9  : i32 {
      %mul3A_28 = arith.constant 1 : i32
      %mul3A_29 = arith.muli %scan3A_27, %mul3A_28 : i32
      %add3A_30 = arith.constant 0 : i32
      %add3A_31 = arith.addi %add3A_30, %mul3A_29 : i32
      %mul3A_32 = arith.constant 640 : i32
      %mul3A_33 = arith.muli %arg1, %mul3A_32 : i32
      %mul3A_34 = arith.constant 128 : i32
      %mul3A_35 = arith.muli %add3A_31, %mul3A_34 : i32
      %add3A_36 = arith.addi %mul3A_33, %mul3A_35 : i32
      "tpu.region"() ({
        %run_scoped3A = tpu.sem_alloc : memref<!tpu.dma_semaphore, #tpu.memory_space<semaphore_mem>>
        %dma_start3A = arith.constant 0 : i32
        %dma_start3A_37 = tpu.memref_slice %arg11[%add3A_36, %dma_start3A] : memref<10240x128xf32, #tpu.memory_space<vmem_shared>> -> memref<128x128xf32, #tpu.memory_space<vmem_shared>>
        %dma_start3A_38 = arith.constant 0 : i32
        %dma_start3A_39 = tpu.memref_slice %arg11[%add3A_36, %dma_start3A_38] : memref<10240x128xf32, #tpu.memory_space<vmem_shared>> -> memref<128x128xf32, #tpu.memory_space<vmem_shared>>
        tpu.enqueue_dma source(%arg10 : memref<128x128xf32, #tpu.memory_space<vmem>>) target(%dma_start3A_39 : memref<128x128xf32, #tpu.memory_space<vmem_shared>>) target_semaphore(%run_scoped3A : memref<!tpu.dma_semaphore, #tpu.memory_space<semaphore_mem>>)
        %dma_wait3A = arith.constant 0 : i32
        %dma_wait3A_40 = tpu.memref_slice %arg11[%add3A_36, %dma_wait3A] : memref<10240x128xf32, #tpu.memory_space<vmem_shared>> -> memref<128x128xf32, #tpu.memory_space<vmem_shared>>
        %dma_wait3A_41 = arith.constant 0 : i32
        %dma_wait3A_42 = tpu.memref_slice %arg11[%add3A_36, %dma_wait3A_41] : memref<10240x128xf32, #tpu.memory_space<vmem_shared>> -> memref<128x128xf32, #tpu.memory_space<vmem_shared>>
        tpu.wait_dma2 semaphore(%run_scoped3A : memref<!tpu.dma_semaphore, #tpu.memory_space<semaphore_mem>>) src(%arg10 : memref<128x128xf32, #tpu.memory_space<vmem>>) dst(%dma_wait3A_42 : memref<128x128xf32, #tpu.memory_space<vmem_shared>>)
        tpu.yield
      }) : () -> ()
    }
    %scan3A_10 = arith.constant 5 : i32
    %mul3A_11 = arith.constant 80 : i32
    %mul3A_12 = arith.muli %add3A, %mul3A_11 : i32
    "tpu.region"() ({
      %run_scoped3A = tpu.sem_alloc : memref<!tpu.dma_semaphore, #tpu.memory_space<semaphore_mem>>
      %dma_start3A = arith.constant 0 : i32
      %dma_start3A_27 = tpu.memref_slice %arg3[%mul3A_12, %dma_start3A] : memref<2560x128xi32, #tpu.memory_space<hbm>> -> memref<80x128xi32, #tpu.memory_space<hbm>>
      %dma_start3A_28 = arith.constant 0 : i32
      %dma_start3A_29 = tpu.memref_slice %arg3[%mul3A_12, %dma_start3A_28] : memref<2560x128xi32, #tpu.memory_space<hbm>> -> memref<80x128xi32, #tpu.memory_space<hbm>>
      tpu.enqueue_dma source(%dma_start3A_29 : memref<80x128xi32, #tpu.memory_space<hbm>>) target(%arg7 : memref<80x128xi32, #tpu.memory_space<vmem>>) target_semaphore(%run_scoped3A : memref<!tpu.dma_semaphore, #tpu.memory_space<semaphore_mem>>)
      %dma_wait3A = arith.constant 0 : i32
      %dma_wait3A_30 = tpu.memref_slice %arg3[%mul3A_12, %dma_wait3A] : memref<2560x128xi32, #tpu.memory_space<hbm>> -> memref<80x128xi32, #tpu.memory_space<hbm>>
      %dma_wait3A_31 = arith.constant 0 : i32
      %dma_wait3A_32 = tpu.memref_slice %arg3[%mul3A_12, %dma_wait3A_31] : memref<2560x128xi32, #tpu.memory_space<hbm>> -> memref<80x128xi32, #tpu.memory_space<hbm>>
      tpu.wait_dma2 semaphore(%run_scoped3A : memref<!tpu.dma_semaphore, #tpu.memory_space<semaphore_mem>>) src(%dma_wait3A_32 : memref<80x128xi32, #tpu.memory_space<hbm>>) dst(%arg7 : memref<80x128xi32, #tpu.memory_space<vmem>>)
      tpu.yield
    }) : () -> ()
    %mul3A_13 = arith.constant 80 : i32
    %mul3A_14 = arith.muli %add3A, %mul3A_13 : i32
    "tpu.region"() ({
      %run_scoped3A = tpu.sem_alloc : memref<!tpu.dma_semaphore, #tpu.memory_space<semaphore_mem>>
      %dma_start3A = arith.constant 0 : i32
      %dma_start3A_27 = tpu.memref_slice %arg4[%mul3A_14, %dma_start3A] : memref<2560x128xi32, #tpu.memory_space<hbm>> -> memref<80x128xi32, #tpu.memory_space<hbm>>
      %dma_start3A_28 = arith.constant 0 : i32
      %dma_start3A_29 = tpu.memref_slice %arg4[%mul3A_14, %dma_start3A_28] : memref<2560x128xi32, #tpu.memory_space<hbm>> -> memref<80x128xi32, #tpu.memory_space<hbm>>
      tpu.enqueue_dma source(%dma_start3A_29 : memref<80x128xi32, #tpu.memory_space<hbm>>) target(%arg8 : memref<80x128xi32, #tpu.memory_space<vmem>>) target_semaphore(%run_scoped3A : memref<!tpu.dma_semaphore, #tpu.memory_space<semaphore_mem>>)
      %dma_wait3A = arith.constant 0 : i32
      %dma_wait3A_30 = tpu.memref_slice %arg4[%mul3A_14, %dma_wait3A] : memref<2560x128xi32, #tpu.memory_space<hbm>> -> memref<80x128xi32, #tpu.memory_space<hbm>>
      %dma_wait3A_31 = arith.constant 0 : i32
      %dma_wait3A_32 = tpu.memref_slice %arg4[%mul3A_14, %dma_wait3A_31] : memref<2560x128xi32, #tpu.memory_space<hbm>> -> memref<80x128xi32, #tpu.memory_space<hbm>>
      tpu.wait_dma2 semaphore(%run_scoped3A : memref<!tpu.dma_semaphore, #tpu.memory_space<semaphore_mem>>) src(%dma_wait3A_32 : memref<80x128xi32, #tpu.memory_space<hbm>>) dst(%arg8 : memref<80x128xi32, #tpu.memory_space<vmem>>)
      tpu.yield
    }) : () -> ()
    %mul3A_15 = arith.constant 80 : i32
    %mul3A_16 = arith.muli %add3A, %mul3A_15 : i32
    "tpu.region"() ({
      %run_scoped3A = tpu.sem_alloc : memref<!tpu.dma_semaphore, #tpu.memory_space<semaphore_mem>>
      %dma_start3A = arith.constant 0 : i32
      %dma_start3A_27 = tpu.memref_slice %arg5[%mul3A_16, %dma_start3A] : memref<2560x128xf32, #tpu.memory_space<hbm>> -> memref<80x128xf32, #tpu.memory_space<hbm>>
      %dma_start3A_28 = arith.constant 0 : i32
      %dma_start3A_29 = tpu.memref_slice %arg5[%mul3A_16, %dma_start3A_28] : memref<2560x128xf32, #tpu.memory_space<hbm>> -> memref<80x128xf32, #tpu.memory_space<hbm>>
      tpu.enqueue_dma source(%dma_start3A_29 : memref<80x128xf32, #tpu.memory_space<hbm>>) target(%arg9 : memref<80x128xf32, #tpu.memory_space<vmem>>) target_semaphore(%run_scoped3A : memref<!tpu.dma_semaphore, #tpu.memory_space<semaphore_mem>>)
      %dma_wait3A = arith.constant 0 : i32
      %dma_wait3A_30 = tpu.memref_slice %arg5[%mul3A_16, %dma_wait3A] : memref<2560x128xf32, #tpu.memory_space<hbm>> -> memref<80x128xf32, #tpu.memory_space<hbm>>
      %dma_wait3A_31 = arith.constant 0 : i32
      %dma_wait3A_32 = tpu.memref_slice %arg5[%mul3A_16, %dma_wait3A_31] : memref<2560x128xf32, #tpu.memory_space<hbm>> -> memref<80x128xf32, #tpu.memory_space<hbm>>
      tpu.wait_dma2 semaphore(%run_scoped3A : memref<!tpu.dma_semaphore, #tpu.memory_space<semaphore_mem>>) src(%dma_wait3A_32 : memref<80x128xf32, #tpu.memory_space<hbm>>) dst(%arg9 : memref<80x128xf32, #tpu.memory_space<vmem>>)
      tpu.yield
    }) : () -> ()
    %barrier3A = arith.constant 0 : index
    tpu.barrier barrier_id(%barrier3A)
    %scan3A_17 = arith.constant 0 : i32
    %scan3A_18 = arith.constant 80 : i32
    %scan3A_19 = arith.addi %scan3A_17, %scan3A_18 : i32
    %scan3A_20 = arith.constant 1 : i32
    scf.for %scan3A_27 = %scan3A_17 to %scan3A_19 step %scan3A_20  : i32 {
      %mul3A_28 = arith.constant 1 : i32
      %mul3A_29 = arith.muli %scan3A_27, %mul3A_28 : i32
      %add3A_30 = arith.constant 0 : i32
      %add3A_31 = arith.addi %add3A_30, %mul3A_29 : i32
      %dma_start3A = arith.constant 0 : i32
      %dma_start3A_32 = tpu.memref_slice %arg7[%add3A_31, %dma_start3A] : memref<80x128xi32, #tpu.memory_space<vmem>> -> memref<1x128xi32, #tpu.memory_space<vmem>>
      %dma_start3A_33 = tpu.memref_squeeze %dma_start3A_32 : memref<1x128xi32, #tpu.memory_space<vmem>> -> memref<128xi32, #tpu.memory_space<vmem>>
      %dma_start3A_34 = arith.constant 0 : i32
      %dma_start3A_35 = arith.constant 0 : i32
      %dma_start3A_36 = tpu.memref_slice %arg2[%dma_start3A_34, %dma_start3A_35] : memref<10240x128xf32, #tpu.memory_space<hbm>> -> memref<10240x128xf32, #tpu.memory_space<hbm>>
      tpu.enqueue_indirect_dma source(%dma_start3A_36 : memref<10240x128xf32, #tpu.memory_space<hbm>>) target(%arg10 : memref<128x128xf32, #tpu.memory_space<vmem>>) offsets(%dma_start3A_33 : memref<128xi32, #tpu.memory_space<vmem>>) semaphore(%arg12 : memref<!tpu.dma_semaphore, #tpu.memory_space<semaphore_mem>>)
      %dma_wait3A = arith.constant 0 : i32
      %dma_wait3A_37 = tpu.memref_slice %arg7[%add3A_31, %dma_wait3A] : memref<80x128xi32, #tpu.memory_space<vmem>> -> memref<1x128xi32, #tpu.memory_space<vmem>>
      %dma_wait3A_38 = tpu.memref_squeeze %dma_wait3A_37 : memref<1x128xi32, #tpu.memory_space<vmem>> -> memref<128xi32, #tpu.memory_space<vmem>>
      %dma_wait3A_39 = arith.constant 0 : i32
      %dma_wait3A_40 = arith.constant 0 : i32
      %dma_wait3A_41 = tpu.memref_slice %arg2[%dma_wait3A_39, %dma_wait3A_40] : memref<10240x128xf32, #tpu.memory_space<hbm>> -> memref<10240x128xf32, #tpu.memory_space<hbm>>
      tpu.wait_indirect_dma semaphore(%arg12 : memref<!tpu.dma_semaphore, #tpu.memory_space<semaphore_mem>>) src(%dma_wait3A_41 : memref<10240x128xf32, #tpu.memory_space<hbm>>) dst(%arg10 : memref<128x128xf32, #tpu.memory_space<vmem>>)
      %scan3A_42 = arith.constant 0 : i32
      %scan3A_43 = arith.constant 128 : i32
      %scan3A_44 = arith.addi %scan3A_42, %scan3A_43 : i32
      %scan3A_45 = arith.constant 1 : i32
      scf.for %scan3A_47 = %scan3A_42 to %scan3A_44 step %scan3A_45  : i32 {
        %mul3A_48 = arith.constant 1 : i32
        %mul3A_49 = arith.muli %scan3A_47, %mul3A_48 : i32
        %add3A_50 = arith.constant 0 : i32
        %add3A_51 = arith.addi %add3A_50, %mul3A_49 : i32
        %broadcast_in_dim3A_52 = vector.broadcast %add3A_31 : i32 to vector<16xi32>
        %broadcast_in_dim3A_53 = vector.broadcast %add3A_51 : i32 to vector<16xi32>
        %gather3A = tpu.vector_load_idx %arg9[%broadcast_in_dim3A_52, %broadcast_in_dim3A_53] : memref<80x128xf32, #tpu.memory_space<vmem>>[vector<16xi32>, vector<16xi32>], vector<16xf32>,
        %get3A = arith.index_cast %add3A_51 : i32 to index
        %get3A_54 = arith.constant 0 : index
        %get3A_55 = tpu.vector_load %arg10[%get3A, %get3A_54] {strides = array<i32>} : memref<128x128xf32, #tpu.memory_space<vmem>>, vector<16xf32>,
        %mul3A_56 = arith.mulf %get3A_55, %gather3A : vector<16xf32>
        %swap3A = arith.index_cast %add3A_51 : i32 to index
        %swap3A_57 = arith.constant 0 : index
        %swap3A_58 = tpu.vector_load %arg10[%swap3A, %swap3A_57] {strides = array<i32>} : memref<128x128xf32, #tpu.memory_space<vmem>>, vector<16xf32>,
        tpu.vector_store %arg10[%swap3A, %swap3A_57], %mul3A_56 {strides = array<i32>} : memref<128x128xf32, #tpu.memory_space<vmem>>, vector<16xf32>,
        %get3A_59 = arith.index_cast %add3A_51 : i32 to index
        %get3A_60 = arith.constant 16 : index
        %get3A_61 = tpu.vector_load %arg10[%get3A_59, %get3A_60] {strides = array<i32>} : memref<128x128xf32, #tpu.memory_space<vmem>>, vector<16xf32>,
        %mul3A_62 = arith.mulf %get3A_61, %gather3A : vector<16xf32>
        %swap3A_63 = arith.index_cast %add3A_51 : i32 to index
        %swap3A_64 = arith.constant 16 : index
        %swap3A_65 = tpu.vector_load %arg10[%swap3A_63, %swap3A_64] {strides = array<i32>} : memref<128x128xf32, #tpu.memory_space<vmem>>, vector<16xf32>,
        tpu.vector_store %arg10[%swap3A_63, %swap3A_64], %mul3A_62 {strides = array<i32>} : memref<128x128xf32, #tpu.memory_space<vmem>>, vector<16xf32>,
        %get3A_66 = arith.index_cast %add3A_51 : i32 to index
        %get3A_67 = arith.constant 32 : index
        %get3A_68 = tpu.vector_load %arg10[%get3A_66, %get3A_67] {strides = array<i32>} : memref<128x128xf32, #tpu.memory_space<vmem>>, vector<16xf32>,
        %mul3A_69 = arith.mulf %get3A_68, %gather3A : vector<16xf32>
        %swap3A_70 = arith.index_cast %add3A_51 : i32 to index
        %swap3A_71 = arith.constant 32 : index
        %swap3A_72 = tpu.vector_load %arg10[%swap3A_70, %swap3A_71] {strides = array<i32>} : memref<128x128xf32, #tpu.memory_space<vmem>>, vector<16xf32>,
        tpu.vector_store %arg10[%swap3A_70, %swap3A_71], %mul3A_69 {strides = array<i32>} : memref<128x128xf32, #tpu.memory_space<vmem>>, vector<16xf32>,
        %get3A_73 = arith.index_cast %add3A_51 : i32 to index
        %get3A_74 = arith.constant 48 : index
        %get3A_75 = tpu.vector_load %arg10[%get3A_73, %get3A_74] {strides = array<i32>} : memref<128x128xf32, #tpu.memory_space<vmem>>, vector<16xf32>,
        %mul3A_76 = arith.mulf %get3A_75, %gather3A : vector<16xf32>
        %swap3A_77 = arith.index_cast %add3A_51 : i32 to index
        %swap3A_78 = arith.constant 48 : index
        %swap3A_79 = tpu.vector_load %arg10[%swap3A_77, %swap3A_78] {strides = array<i32>} : memref<128x128xf32, #tpu.memory_space<vmem>>, vector<16xf32>,
        tpu.vector_store %arg10[%swap3A_77, %swap3A_78], %mul3A_76 {strides = array<i32>} : memref<128x128xf32, #tpu.memory_space<vmem>>, vector<16xf32>,
        %get3A_80 = arith.index_cast %add3A_51 : i32 to index
        %get3A_81 = arith.constant 64 : index
        %get3A_82 = tpu.vector_load %arg10[%get3A_80, %get3A_81] {strides = array<i32>} : memref<128x128xf32, #tpu.memory_space<vmem>>, vector<16xf32>,
        %mul3A_83 = arith.mulf %get3A_82, %gather3A : vector<16xf32>
        %swap3A_84 = arith.index_cast %add3A_51 : i32 to index
        %swap3A_85 = arith.constant 64 : index
        %swap3A_86 = tpu.vector_load %arg10[%swap3A_84, %swap3A_85] {strides = array<i32>} : memref<128x128xf32, #tpu.memory_space<vmem>>, vector<16xf32>,
        tpu.vector_store %arg10[%swap3A_84, %swap3A_85], %mul3A_83 {strides = array<i32>} : memref<128x128xf32, #tpu.memory_space<vmem>>, vector<16xf32>,
        %get3A_87 = arith.index_cast %add3A_51 : i32 to index
        %get3A_88 = arith.constant 80 : index
        %get3A_89 = tpu.vector_load %arg10[%get3A_87, %get3A_88] {strides = array<i32>} : memref<128x128xf32, #tpu.memory_space<vmem>>, vector<16xf32>,
        %mul3A_90 = arith.mulf %get3A_89, %gather3A : vector<16xf32>
        %swap3A_91 = arith.index_cast %add3A_51 : i32 to index
        %swap3A_92 = arith.constant 80 : index
        %swap3A_93 = tpu.vector_load %arg10[%swap3A_91, %swap3A_92] {strides = array<i32>} : memref<128x128xf32, #tpu.memory_space<vmem>>, vector<16xf32>,
        tpu.vector_store %arg10[%swap3A_91, %swap3A_92], %mul3A_90 {strides = array<i32>} : memref<128x128xf32, #tpu.memory_space<vmem>>, vector<16xf32>,
        %get3A_94 = arith.index_cast %add3A_51 : i32 to index
        %get3A_95 = arith.constant 96 : index
        %get3A_96 = tpu.vector_load %arg10[%get3A_94, %get3A_95] {strides = array<i32>} : memref<128x128xf32, #tpu.memory_space<vmem>>, vector<16xf32>,
        %mul3A_97 = arith.mulf %get3A_96, %gather3A : vector<16xf32>
        %swap3A_98 = arith.index_cast %add3A_51 : i32 to index
        %swap3A_99 = arith.constant 96 : index
        %swap3A_100 = tpu.vector_load %arg10[%swap3A_98, %swap3A_99] {strides = array<i32>} : memref<128x128xf32, #tpu.memory_space<vmem>>, vector<16xf32>,
        tpu.vector_store %arg10[%swap3A_98, %swap3A_99], %mul3A_97 {strides = array<i32>} : memref<128x128xf32, #tpu.memory_space<vmem>>, vector<16xf32>,
        %get3A_101 = arith.index_cast %add3A_51 : i32 to index
        %get3A_102 = arith.constant 112 : index
        %get3A_103 = tpu.vector_load %arg10[%get3A_101, %get3A_102] {strides = array<i32>} : memref<128x128xf32, #tpu.memory_space<vmem>>, vector<16xf32>,
        %mul3A_104 = arith.mulf %get3A_103, %gather3A : vector<16xf32>
        %swap3A_105 = arith.index_cast %add3A_51 : i32 to index
        %swap3A_106 = arith.constant 112 : index
        %swap3A_107 = tpu.vector_load %arg10[%swap3A_105, %swap3A_106] {strides = array<i32>} : memref<128x128xf32, #tpu.memory_space<vmem>>, vector<16xf32>,
        tpu.vector_store %arg10[%swap3A_105, %swap3A_106], %mul3A_104 {strides = array<i32>} : memref<128x128xf32, #tpu.memory_space<vmem>>, vector<16xf32>,
      }
      %scan3A_46 = arith.constant 128 : i32
      "tpu.region"() ({
        %run_scoped3A = tpu.sem_alloc : memref<!tpu.dma_semaphore, #tpu.memory_space<semaphore_mem>>
        %dma_start3A_47 = arith.constant 0 : i32
        %dma_start3A_48 = tpu.memref_slice %arg8[%add3A_31, %dma_start3A_47] : memref<80x128xi32, #tpu.memory_space<vmem>> -> memref<1x128xi32, #tpu.memory_space<vmem>>
        %dma_start3A_49 = tpu.memref_squeeze %dma_start3A_48 : memref<1x128xi32, #tpu.memory_space<vmem>> -> memref<128xi32, #tpu.memory_space<vmem>>
        %dma_start3A_50 = arith.constant 0 : i32
        %dma_start3A_51 = arith.constant 0 : i32
        %dma_start3A_52 = tpu.memref_slice %arg11[%dma_start3A_50, %dma_start3A_51] : memref<10240x128xf32, #tpu.memory_space<vmem_shared>> -> memref<10240x128xf32, #tpu.memory_space<vmem_shared>>
        tpu.enqueue_indirect_dma source(%arg10 : memref<128x128xf32, #tpu.memory_space<vmem>>) target(%dma_start3A_52 : memref<10240x128xf32, #tpu.memory_space<vmem_shared>>) offsets(%dma_start3A_49 : memref<128xi32, #tpu.memory_space<vmem>>) semaphore(%run_scoped3A : memref<!tpu.dma_semaphore, #tpu.memory_space<semaphore_mem>>) {add = true}
        %dma_wait3A_53 = arith.constant 0 : i32
        %dma_wait3A_54 = tpu.memref_slice %arg8[%add3A_31, %dma_wait3A_53] : memref<80x128xi32, #tpu.memory_space<vmem>> -> memref<1x128xi32, #tpu.memory_space<vmem>>
        %dma_wait3A_55 = tpu.memref_squeeze %dma_wait3A_54 : memref<1x128xi32, #tpu.memory_space<vmem>> -> memref<128xi32, #tpu.memory_space<vmem>>
        %dma_wait3A_56 = arith.constant 0 : i32
        %dma_wait3A_57 = arith.constant 0 : i32
        %dma_wait3A_58 = tpu.memref_slice %arg11[%dma_wait3A_56, %dma_wait3A_57] : memref<10240x128xf32, #tpu.memory_space<vmem_shared>> -> memref<10240x128xf32, #tpu.memory_space<vmem_shared>>
        tpu.wait_indirect_dma semaphore(%run_scoped3A : memref<!tpu.dma_semaphore, #tpu.memory_space<semaphore_mem>>) src(%arg10 : memref<128x128xf32, #tpu.memory_space<vmem>>) dst(%dma_wait3A_58 : memref<10240x128xf32, #tpu.memory_space<vmem_shared>>)
        tpu.yield
      }) : () -> ()
    }
    %scan3A_21 = arith.constant 80 : i32
    %barrier3A_22 = arith.constant 0 : index
    tpu.barrier barrier_id(%barrier3A_22)
    %mul3A_23 = arith.constant 640 : i32
    %mul3A_24 = arith.muli %arg1, %mul3A_23 : i32
    %mul3A_25 = arith.constant 640 : i32
    %mul3A_26 = arith.muli %arg1, %mul3A_25 : i32
    "tpu.region"() ({
      %run_scoped3A = tpu.sem_alloc : memref<!tpu.dma_semaphore, #tpu.memory_space<semaphore_mem>>
      %dma_start3A = arith.constant 0 : i32
      %dma_start3A_27 = arith.constant 0 : i32
      %dma_start3A_28 = tpu.memref_slice %arg6[%arg0, %dma_start3A, %dma_start3A_27] : memref<2x10240x128xf32, #tpu.memory_space<hbm>> -> memref<1x10240x128xf32, #tpu.memory_space<hbm>>
      %dma_start3A_29 = tpu.memref_squeeze %dma_start3A_28 : memref<1x10240x128xf32, #tpu.memory_space<hbm>> -> memref<10240x128xf32, #tpu.memory_space<hbm>>
      %dma_start3A_30 = arith.constant 0 : i32
      %dma_start3A_31 = tpu.memref_slice %dma_start3A_29[%mul3A_26, %dma_start3A_30] : memref<10240x128xf32, #tpu.memory_space<hbm>> -> memref<640x128xf32, #tpu.memory_space<hbm>>
      %dma_start3A_32 = arith.constant 0 : i32
      %dma_start3A_33 = tpu.memref_slice %arg11[%mul3A_24, %dma_start3A_32] : memref<10240x128xf32, #tpu.memory_space<vmem_shared>> -> memref<640x128xf32, #tpu.memory_space<vmem_shared>>
      tpu.enqueue_dma source(%dma_start3A_33 : memref<640x128xf32, #tpu.memory_space<vmem_shared>>) target(%dma_start3A_31 : memref<640x128xf32, #tpu.memory_space<hbm>>) target_semaphore(%run_scoped3A : memref<!tpu.dma_semaphore, #tpu.memory_space<semaphore_mem>>)
      %dma_wait3A = arith.constant 0 : i32
      %dma_wait3A_34 = arith.constant 0 : i32
      %dma_wait3A_35 = tpu.memref_slice %arg6[%arg0, %dma_wait3A, %dma_wait3A_34] : memref<2x10240x128xf32, #tpu.memory_space<hbm>> -> memref<1x10240x128xf32, #tpu.memory_space<hbm>>
      %dma_wait3A_36 = tpu.memref_squeeze %dma_wait3A_35 : memref<1x10240x128xf32, #tpu.memory_space<hbm>> -> memref<10240x128xf32, #tpu.memory_space<hbm>>
      %dma_wait3A_37 = arith.constant 0 : i32
      %dma_wait3A_38 = tpu.memref_slice %dma_wait3A_36[%mul3A_26, %dma_wait3A_37] : memref<10240x128xf32, #tpu.memory_space<hbm>> -> memref<640x128xf32, #tpu.memory_space<hbm>>
      %dma_wait3A_39 = arith.constant 0 : i32
      %dma_wait3A_40 = tpu.memref_slice %arg11[%mul3A_24, %dma_wait3A_39] : memref<10240x128xf32, #tpu.memory_space<vmem_shared>> -> memref<640x128xf32, #tpu.memory_space<vmem_shared>>
      tpu.wait_dma2 semaphore(%run_scoped3A : memref<!tpu.dma_semaphore, #tpu.memory_space<semaphore_mem>>) src(%dma_wait3A_40 : memref<640x128xf32, #tpu.memory_space<vmem_shared>>) dst(%dma_wait3A_38 : memref<640x128xf32, #tpu.memory_space<hbm>>)
      tpu.yield
    }) : () -> ()
    return
  }
}

module attributes {stable_mosaic.version = 14 : i64} {
  func.func @body(%arg0: i32, %arg1: memref<2000x128xf32, #tpu.memory_space<vmem>>, %arg2: memref<128x128xf32, #tpu.memory_space<vmem>>, %arg3: memref<1x128xf32, #tpu.memory_space<vmem>>, %arg4: memref<128x128xf32, #tpu.memory_space<vmem>>, %arg5: memref<1x128xf32, #tpu.memory_space<vmem>>, %arg6: memref<2000x128xf32, #tpu.memory_space<vmem>>) attributes {dimension_semantics = [#tpu.dimension_semantics<arbitrary>], iteration_bounds = array<i64: 5>, scalar_prefetch = 0 : i64, scratch_operands = 0 : i64, tpu.core_type = #tpu.core_type<tc>, window_params = [{transform_indices = @transform_0, window_bounds = array<i64: 2000, 128>}, {pipeline_mode = #tpu.pipeline_mode<synchronous>, transform_indices = @transform_1, window_bounds = array<i64: 128, 128>}, {pipeline_mode = #tpu.pipeline_mode<synchronous>, transform_indices = @transform_2, window_bounds = array<i64: 1, 128>}, {pipeline_mode = #tpu.pipeline_mode<synchronous>, transform_indices = @transform_3, window_bounds = array<i64: 128, 128>}, {pipeline_mode = #tpu.pipeline_mode<synchronous>, transform_indices = @transform_4, window_bounds = array<i64: 1, 128>}, {transform_indices = @transform_5, window_bounds = array<i64: 2000, 128>}]} {
    %get3A = arith.constant 0 : index
    %get3A_0 = arith.constant 0 : index
    %get3A_1 = vector.load %arg1[%get3A, %get3A_0] : memref<2000x128xf32, #tpu.memory_space<vmem>>, vector<2000x128xf32>
    %get3A_2 = arith.constant 0 : index
    %get3A_3 = arith.constant 0 : index
    %get3A_4 = vector.load %arg2[%get3A_2, %get3A_3] : memref<128x128xf32, #tpu.memory_space<vmem>>, vector<128x128xf32>
    %dot_general3A = arith.constant dense<0.000000e+00> : vector<2000x128xf32>
    %dot_general3A_5 = tpu.matmul %get3A_1, %get3A_4, %dot_general3A {dimension_numbers = #tpu.dot_dimension_numbers<[1], [0], [0], [1], [0, 0, 1, 1], [], []>, precision = #tpu.contract_precision<fp32>, transpose_lhs_hint = false} : vector<2000x128xf32>, vector<128x128xf32>, vector<2000x128xf32> -> vector<2000x128xf32>
    %get3A_6 = arith.constant 0 : index
    %get3A_7 = arith.constant 0 : index
    %get3A_8 = vector.load %arg3[%get3A_6, %get3A_7] : memref<1x128xf32, #tpu.memory_space<vmem>>, vector<1x128xf32>
    %add3A = vector.broadcast %get3A_8 : vector<1x128xf32> to vector<2000x128xf32>
    %add3A_9 = arith.addf %dot_general3A_5, %add3A : vector<2000x128xf32>
    %gt3A = arith.constant 0.000000e+00 : f32
    %gt3A_10 = vector.broadcast %gt3A : f32 to vector<2000x128xf32>
    %gt3A_11 = arith.cmpf ogt, %add3A_9, %gt3A_10 : vector<2000x128xf32>
    %mul3A = arith.constant 1.000000e-01 : f32
    %mul3A_12 = vector.broadcast %mul3A : f32 to vector<2000x128xf32>
    %mul3A_13 = arith.mulf %mul3A_12, %add3A_9 : vector<2000x128xf32>
    %select_n3A = arith.select %gt3A_11, %add3A_9, %mul3A_13 : vector<2000x128xi1>, vector<2000x128xf32>
    %get3A_14 = arith.constant 0 : index
    %get3A_15 = arith.constant 0 : index
    %get3A_16 = vector.load %arg4[%get3A_14, %get3A_15] : memref<128x128xf32, #tpu.memory_space<vmem>>, vector<128x128xf32>
    %dot_general3A_17 = arith.constant dense<0.000000e+00> : vector<2000x128xf32>
    %dot_general3A_18 = tpu.matmul %select_n3A, %get3A_16, %dot_general3A_17 {dimension_numbers = #tpu.dot_dimension_numbers<[1], [0], [0], [1], [0, 0, 1, 1], [], []>, precision = #tpu.contract_precision<fp32>, transpose_lhs_hint = false} : vector<2000x128xf32>, vector<128x128xf32>, vector<2000x128xf32> -> vector<2000x128xf32>
    %get3A_19 = arith.constant 0 : index
    %get3A_20 = arith.constant 0 : index
    %get3A_21 = vector.load %arg5[%get3A_19, %get3A_20] : memref<1x128xf32, #tpu.memory_space<vmem>>, vector<1x128xf32>
    %add3A_22 = vector.broadcast %get3A_21 : vector<1x128xf32> to vector<2000x128xf32>
    %add3A_23 = arith.addf %dot_general3A_18, %add3A_22 : vector<2000x128xf32>
    %swap3A = arith.constant 0 : index
    %swap3A_24 = arith.constant 0 : index
    %swap3A_25 = vector.load %arg6[%swap3A, %swap3A_24] : memref<2000x128xf32, #tpu.memory_space<vmem>>, vector<2000x128xf32>
    tpu.vector_store %arg6[%swap3A, %swap3A_24], %add3A_23 {strides = array<i32>} : memref<2000x128xf32, #tpu.memory_space<vmem>>, vector<2000x128xf32>,
    return
  }
  func.func @transform_0(%arg0: i32) -> (i32, i32) {
    %c0_i32 = arith.constant 0 : i32
    %c0_i32_0 = arith.constant 0 : i32
    return %arg0, %c0_i32 : i32, i32
  }
  func.func @transform_1(%arg0: i32) -> (i32, i32) {
    %c0_i32 = arith.constant 0 : i32
    %c0_i32_0 = arith.constant 0 : i32
    %c0_i32_1 = arith.constant 0 : i32
    return %c0_i32, %c0_i32_0 : i32, i32
  }
  func.func @transform_2(%arg0: i32) -> (i32, i32) {
    %c0_i32 = arith.constant 0 : i32
    %c0_i32_0 = arith.constant 0 : i32
    %c0_i32_1 = arith.constant 0 : i32
    return %c0_i32, %c0_i32_0 : i32, i32
  }
  func.func @transform_3(%arg0: i32) -> (i32, i32) {
    %c0_i32 = arith.constant 0 : i32
    %c0_i32_0 = arith.constant 0 : i32
    %c0_i32_1 = arith.constant 0 : i32
    return %c0_i32, %c0_i32_0 : i32, i32
  }
  func.func @transform_4(%arg0: i32) -> (i32, i32) {
    %c0_i32 = arith.constant 0 : i32
    %c0_i32_0 = arith.constant 0 : i32
    %c0_i32_1 = arith.constant 0 : i32
    return %c0_i32, %c0_i32_0 : i32, i32
  }
  func.func @transform_5(%arg0: i32) -> (i32, i32) {
    %c0_i32 = arith.constant 0 : i32
    %c0_i32_0 = arith.constant 0 : i32
    return %arg0, %c0_i32 : i32, i32
  }
}

module attributes {stable_mosaic.version = 14 : i64} {
  func.func @body(%arg0: i32, %arg1: memref<2x2048x128xf32, #tpu.memory_space<vmem>>, %arg2: memref<2048x128xf32, #tpu.memory_space<vmem>>) attributes {dimension_semantics = [#tpu.dimension_semantics<arbitrary>], iteration_bounds = array<i64: 5>, scalar_prefetch = 0 : i64, scratch_operands = 0 : i64, tpu.core_type = #tpu.core_type<tc>, window_params = [{transform_indices = @transform_0, window_bounds = array<i64: 2, 2048, 128>}, {transform_indices = @transform_1, window_bounds = array<i64: 2048, 128>}]} {
    %get3A = arith.constant 0 : index
    %get3A_0 = arith.constant 0 : index
    %get3A_1 = arith.constant 0 : index
    %get3A_2 = vector.load %arg1[%get3A, %get3A_0, %get3A_1] : memref<2x2048x128xf32, #tpu.memory_space<vmem>>, vector<1x2048x128xf32>
    %get3A_3 = vector.shape_cast %get3A_2 : vector<1x2048x128xf32> to vector<2048x128xf32>
    %get3A_4 = arith.constant 1 : index
    %get3A_5 = arith.constant 0 : index
    %get3A_6 = arith.constant 0 : index
    %get3A_7 = vector.load %arg1[%get3A_4, %get3A_5, %get3A_6] : memref<2x2048x128xf32, #tpu.memory_space<vmem>>, vector<1x2048x128xf32>
    %get3A_8 = vector.shape_cast %get3A_7 : vector<1x2048x128xf32> to vector<2048x128xf32>
    %add3A = arith.addf %get3A_3, %get3A_8 : vector<2048x128xf32>
    %swap3A = arith.constant 0 : index
    %swap3A_9 = arith.constant 0 : index
    %swap3A_10 = vector.load %arg2[%swap3A, %swap3A_9] : memref<2048x128xf32, #tpu.memory_space<vmem>>, vector<2048x128xf32>
    tpu.vector_store %arg2[%swap3A, %swap3A_9], %add3A {strides = array<i32>} : memref<2048x128xf32, #tpu.memory_space<vmem>>, vector<2048x128xf32>,
    return
  }
  func.func @transform_0(%arg0: i32) -> (i32, i32, i32) {
    %c0_i32 = arith.constant 0 : i32
    %c0_i32_0 = arith.constant 0 : i32
    %c0_i32_1 = arith.constant 0 : i32
    return %c0_i32, %arg0, %c0_i32_0 : i32, i32, i32
  }
  func.func @transform_1(%arg0: i32) -> (i32, i32) {
    %c0_i32 = arith.constant 0 : i32
    %c0_i32_0 = arith.constant 0 : i32
    return %arg0, %c0_i32 : i32, i32
  }
}

</mosaic_0001>

<sc_bundles>
// kernel: kernel.10.cloned.1.call-start
scs
__scs_entry_jumppad:
0x0: {  	(pc) =	sbr.rel $0x88, $3  }
0x1: {  	(tag) =	ssettag $0x0;
	lr =	simm.s32 $0x1  }
0x2: {  	[smem:$0x3F9A] =	sst lr;
	_ =	strace $0xD0000000  }
0x3: {  	_ = 	snop  }
0x4: {  	_ = 	snop  }
0x5: {  	_ = 	snop  }
0x6: {  	_ = 	snop  }
0x7: {  	_ = 	snop  }
__scs_overlays_trampoline_lowered:
0x8: {  	[smem:$0x3FA9] =	sst s0  }
0x9: {  	[smem:$0x3FAA] =	sst s1  }
0xa: {  	[smem:$0x3FAB] =	sst s2  }
0xb: {  	[smem:$0x3FAC] =	sst s3  }
0xc: {  	[smem:$0x3FAD] =	sst s4  }
0xd: {  	[smem:$0x3FAE] =	sst s5  }
0xe: {  	[smem:$0x3FAF] =	sst s6  }
0xf: {  	[smem:$0x3FB0] =	sst s7  }
0x10: {  	[smem:$0x3FB1] =	sst s8  }
0x11: {  	[smem:$0x3FB2] =	sst s9;
	s0 =	simm.s32 @!p0 $0x0  }
0x12: {  	s1 =	sld [smem:$0x3F98];
	s0 =	simm.s32 @p0 $0x1  }
0x13: {  	[smem:$0x3FB3] =	sst s0;
	s0 =	simm.s32 @!p1 $0x0  }
0x14: {  	s2 =	sld [smem:$0x3F97];
	s0 =	simm.s32 @p1 $0x1  }
0x15: {  	[smem:$0x3FB4] =	sst s0;
	s0 =	simm.s32 @!p2 $0x0  }
0x16: {  	s3 =	sld [smem:$0x3FDB];
	s0 =	simm.s32 @p2 $0x1  }
0x17: {  	s4 =	simm.s32 $0x1BF5;
	[smem:$0x3FB6] =	sst s0  }
0x18: {  	s0 =	sld [smem:$0x3F99];
	_ =	swait.ge [sflag:s4], $0x0  }
0x19: {  	s7 =	sld [smem:$0x3F9A]  }
0x1a: {  	s8 =	sadd.s32 $0xFFFFE003, lr  }
0x1b: {  	s9 =	sadd.s32 $0xFFFFFEF7, lr;
	s5 =	simm.s32 $0xFFFFFFFF;
	p2 =	slt.u32 s8, $0xFFFFF086  }
0x1c: {  	p1 =	slt.u32 s9, $0xF7A;
	s5 =	simm.s32 @!p2 $0x0  }
0x1d: {  	s5 =	simm.s32 @p1 $0x1;
	p0 =	seq.s32 s7, s2  }
0x1e: {  	s7 =	smul.u32 @!p0 $0xF7A, s2;
	p2 =	seq.s32 @!p0 s5, $0x0  }
0x1f: {  	s9 =	smul.u32 $0xF7A, s1;
	s8 =	simm.s32 @!p0 $0x1BF5;
	p2 =	por !p2, p0  }
0x20: {  	[sflag:s8] =	ssyncset.s32 @!p0 $0xFFFFF086;
	s6 =	sadd.s32 @!p0 s3, s7;
	s7 =	simm.s32 @!p0 $0x108  }
0x21: {  	s3 =	sadd.s32 s3, s9;
	s6 =	sadd.s32 @!p0 $0x88, s6;
	s7 =	simm.s32 @p2 $0x1082  }
0x22: {  	[simem:s7], [sflag:s8] =	dma.local @!p0 [hbm:s6], $0xF7A  }
0x23: {  	s9 =	sor.u32 $0xD0000000, s2;
	s6 =	simm.s32 $0x108;
	_ =	swait.ge @!p0 [sflag:s8], $0x0  }
0x24: {  	s3 =	sadd.s32 $0x88, s3;
	s6 =	simm.s32 @!p1 $0x1082;
	[sflag:s4] =	ssyncset.s32 $0xFFFFF086  }
0x25: {  	[simem:s6], [sflag:s4] =	dma.local [hbm:s3], $0xF7A  }
0x26: {  	[smem:$0x3F9A] =	sst s1;
	(tag) =	ssettag s2;
	_ =	strace s9  }
0x27: {  	s1 =	sld [smem:$0x3FAA]  }
0x28: {  	s2 =	sld [smem:$0x3FAB]  }
0x29: {  	s4 =	sld [smem:$0x3FAD]  }
0x2a: {  	p0 =	seq.s32 s5, $0x0;
	s5 =	sld [smem:$0x3FAE]  }
0x2b: {  	s6 =	sld [smem:$0x3FAF]  }
0x2c: {  	s7 =	sld [smem:$0x3FB0]  }
0x2d: {  	s3 =	simm.s32 $0x108;
	s8 =	sld [smem:$0x3FB1]  }
0x2e: {  	s3 =	simm.s32 @!p0 $0x1082;
	s9 =	sld [smem:$0x3FB2]  }
0x2f: {  	lr =	sadd.s32 s0, s3;
	s0 =	sld [smem:$0x3FA9]  }
0x30: {  	s3 =	sld [smem:$0x3FAC]  }
0x31: {  	[smem:$0x3FB5] =	sst s10  }
0x32: {  	s10 =	sld [smem:$0x3FB3];
	_ =	sdelay $0x3  }
0x33: {  	p0 =	seq.s32 s10, $0x1;
	s10 =	sld [smem:$0x3FB5];
	_ =	sdelay $0x3  }
0x34: {  	[smem:$0x3FB5] =	sst s10  }
0x35: {  	s10 =	sld [smem:$0x3FB4];
	_ =	sdelay $0x3  }
0x36: {  	p1 =	seq.s32 s10, $0x1;
	s10 =	sld [smem:$0x3FB5];
	_ =	sdelay $0x3  }
0x37: {  	[smem:$0x3FB5] =	sst s10  }
0x38: {  	s10 =	sld [smem:$0x3FB6]  }
0x39: {  	_ = 	snop;
	(pc) =	sbr.ind lr, $3  }
0x3a: {  	_ = 	snop  }
0x3b: {  	_ = 	snop  }
0x3c: {  	p2 =	seq.s32 s10, $0x1;
	s10 =	sld [smem:$0x3FB5]  }
0x3d: {  	_ =	shalt  }
0x3e: {  	_ =	shalt  }
0x3f: {  	_ =	shalt  }
0x40: {  	_ =	shalt  }
0x41: {  	_ =	shalt  }
0x42: {  	_ =	shalt  }
0x43: {  	_ =	shalt  }
0x44: {  	_ =	shalt  }
0x45: {  	_ =	shalt  }
0x46: {  	_ =	shalt  }
0x47: {  	_ =	shalt  }
0x48: {  	_ =	shalt  }
0x49: {  	_ =	shalt  }
0x4a: {  	_ =	shalt  }
0x4b: {  	_ =	shalt  }
0x4c: {  	_ =	shalt  }
0x4d: {  	_ =	shalt  }
0x4e: {  	_ =	shalt  }
0x4f: {  	_ =	shalt  }
0x50: {  	_ =	shalt  }
0x51: {  	_ =	shalt  }
0x52: {  	_ =	shalt  }
0x53: {  	_ =	shalt  }
0x54: {  	_ =	shalt  }
0x55: {  	_ =	shalt  }
0x56: {  	_ =	shalt  }
0x57: {  	_ =	shalt  }
0x58: {  	_ =	shalt  }
0x59: {  	_ =	shalt  }
0x5a: {  	_ =	shalt  }
0x5b: {  	_ =	shalt  }
0x5c: {  	_ =	shalt  }
0x5d: {  	_ =	shalt  }
0x5e: {  	_ =	shalt  }
0x5f: {  	_ =	shalt  }
0x60: {  	_ =	shalt  }
0x61: {  	_ =	shalt  }
0x62: {  	_ =	shalt  }
0x63: {  	_ =	shalt  }
0x64: {  	_ =	shalt  }
0x65: {  	_ =	shalt  }
0x66: {  	_ =	shalt  }
0x67: {  	_ =	shalt  }
0x68: {  	_ =	shalt  }
0x69: {  	_ =	shalt  }
0x6a: {  	_ =	shalt  }
0x6b: {  	_ =	shalt  }
0x6c: {  	_ =	shalt  }
0x6d: {  	_ =	shalt  }
0x6e: {  	_ =	shalt  }
0x6f: {  	_ =	shalt  }
0x70: {  	_ =	shalt  }
0x71: {  	_ =	shalt  }
0x72: {  	_ =	shalt  }
0x73: {  	_ =	shalt  }
0x74: {  	_ =	shalt  }
0x75: {  	_ =	shalt  }
0x76: {  	_ =	shalt  }
0x77: {  	_ =	shalt  }
0x78: {  	_ =	shalt  }
0x79: {  	_ =	shalt  }
0x7a: {  	_ =	shalt  }
0x7b: {  	_ =	shalt  }
0x7c: {  	_ =	shalt  }
0x7d: {  	_ =	shalt  }
0x7e: {  	_ =	shalt  }
0x7f: {  	_ =	shalt  }
0x80: {  	_ =	shalt  }
0x81: {  	_ =	shalt  }
0x82: {  	_ =	shalt  }
0x83: {  	_ =	shalt  }
0x84: {  	_ =	shalt  }
0x85: {  	_ =	shalt  }
0x86: {  	_ =	shalt  }
0x87: {  	_ =	shalt  }
.Lfunc_end0:
.L_simem_size_0:
called_computation.1_lowered:
.L_overlay_start_0:
0x88: {  	s2 =	sld [smem:$0x3FD9]  }
0x89: {  	s3 =	sld [smem:$0x3FFE];
	_ =	sdelay $0x1  }
0x8a: {  	s1 =	srdreg.scid  }
0x8b: {  	s0 =	sand.u32 $0x1, s1  }
0x8c: {  	s16 =	sshll.u32 s0, $0xA;
	s2 =	sadd.s32 s3, s2  }
0x8d: {  	s2 =	sadd.s32 s2, s16  }
0x8e: {  	[smem:$0x3FC1] =	sst s2  }
0x8f: {  	_ = 	snop  }
0x90: {  	(tm) =	ssettm $0x1  }
0x91: {  	s17 =	sld [smem:$0x3FFB];
	_ =	sdelay $0x3  }
0x92: {  	_ =	strace s17  }
0x93: {  	s2 =	sld [smem:$0x3FFC];
	_ =	sdelay $0x3  }
0x94: {  	_ =	strace s2  }
0x95: {  	s2 =	sld [smem:$0x3FFD];
	_ =	sdelay $0x3  }
0x96: {  	_ =	strace s2  }
0x97: {  	_ =	strace $0x8FFFFFFF  }
0x98: {  	s18 =	sld [smem:$0x3FDB];
	_ =	sdelay $0x1  }
0x99: {  	s19 =	simm.s32 $_scs_section_size  }
0x9a: {  	s4 =	simm.s32 $_size__tile_overlayer_lowered;
	s5 =	simm.s32 $_tile_overlayer_lowered  }
0x9b: {  	s22 =	simm.s32 $0x1BFF;
	s21 =	sshll.u32 s5, $0x1;
	s2 =	sadd.s32 s19, s18  }
0x9c: {  	s6 =	simm.s32 $0x0;
	s20 =	sshll.u32 s4, $0x1;
	s4 =	sadd.s32 s21, s2  }
0x9d: {  	[timem:s6], [sflag:s22] =	dma.local [hbm:s4], s20  }
0x9e: {  	_ =	swait.ge [sflag:s22], s20  }
0x9f: {  	s3 =	ssub.s32 $0x0, s20;
	[sflag:s22] =	ssyncset.done $0x0  }
0xa0: {  	[sflag:s22] =	ssyncadd.s32 s3;
	_ =	sdelay $0x1  }
0xa1: {  	s23 =	simm.s32 $0x1B8B  }
0xa2: {  	_ =	swait.ge [sflag:s23], $0x1  }
0xa3: {  	[sflag:s23] =	ssyncset.done $0x0  }
0xa4: {  	s25 =	simm.s32 $0x1B8E;
	s24 =	sld [smem:$0x3FFE];
	[sflag:s23] =	ssyncadd.s32 $0xFFFFFFFF  }
0xa5: {  	s26 =	simm.s32 $execute0_lowered;
	[smem:$0x3FD2] =	sst s25  }
0xa6: {  	s4 =	sshll.u32 s26, $0x1;
	_ =	strace $0x80000049;
	[dreg:$0x1] =	wrdreg $0xFFFFFFFF  }
0xa7: {  	s28 =	simm.s32 $_size_execute0_lowered;
	s2 =	sadd.s32 s2, s4;
	[dreg:$0x0] =	wrdreg $0x0  }
0xa8: {  	s4 =	sshll.u32 s28, $0x1;
	[dreg:$0x2] =	wrdreg s2  }
0xa9: {  	[dreg:$0x3] =	wrdreg s4  }
0xaa: {  	[dreg:$0x4] =	wrdreg $0xC0  }
0xab: {  	_ =	task [dreg:s6], $0x5FFFF  }
0xac: {  	[dreg:$0x1] =	wrdreg $0xFFFFFFFF  }
0xad: {  	[dreg:$0x0] =	wrdreg $0x60  }
0xae: {  	[dreg:$0x2] =	wrdreg s24  }
0xaf: {  	[dreg:$0x3] =	wrdreg $0xB8000  }
0xb0: {  	[dreg:$0x4] =	wrdreg $0x9  }
0xb1: {  	_ =	task.clear_ibuf [dreg:s6], $0x5FFFF;
	_ =	strace $0x90000049  }
0xb2: {  	s29 =	simm.s32 $0x9;
	_ =	strace $0x8000004B  }
0xb3: {  	_ =	swait.ge [sflag:s29], $0x1  }
0xb4: {  	[sflag:s29] =	ssyncadd.s32 $0xFFFFFFFF  }
0xb5: {  	_ =	strace $0x9000004B  }
0xb6: {  	_ =	sfence  }
0xb7: {  	s30 =	sld [smem:$0x0];
	_ =	sdelay $0x2  }
0xb8: {  	s31 =	sshll.u32 s1, $0xD;
	s1 =	sshrl.u32 s1, $0x2  }
0xb9: {  	s3 =	sand.u32 $0x4000, s31;
	s1 =	sadd.s32 s1, s30  }
0xba: {  	s0 =	sor.u32 s3, s0;
	s1 =	sshll.u32 s1, $0x11  }
0xbb: {  	s0 =	sor.u32 s1, s0  }
0xbc: {  	s0 =	sadd.s32 $0x8F2B, s0  }
0xbd: {  	[sflag:s0] =	ssyncadd.remote.s32 $0x1  }
0xbe: {  	_ =	sfence.sel $0xFFFF  }
0xbf: {  	[dreg:$0x0] =	wrdreg $0xFFFFFFFF;
	(pc) =	sbr.abs _section_cstart, $3  }
0xc0: {  	[dreg:$0x1] =	wrdreg $0xFFFFFFFF  }
0xc1: {  	_ =	task.clear_ibuf [dreg:s6], $0x2FFFF;
	_ =	strace $0x9FFFFFFF  }
0xc2: {  	(tm) =	ssettm $0x7FFFFFFF  }
0xc3: {  	_ =	shalt  }
tec
execute0_lowered:
.L_overlay_start_1:
0x0: {  	(tag) =	ssettag $0x1  }
0x1: {  	s0 =	srdreg.scid;
	s6 =	rddreg [dreg:$0x0]  }
0x2: {  	s2 =	rddreg [dreg:$0x1];
	s3 =	simm.s32 $0x0;
	s14 =	simm.s32 $0x7800  }
0x3: {  	s15 =	simm.s32 $0x2;
	s16 =	simm.s32 $0x2800;
	s5 =	sand.u32 $0x1, s0  }
0x4: {  	s17 =	simm.s32 $0x5000;
	s0 =	stileid.u32;
	s8 =	smul.u32 $0x28000, s5  }
0x5: {  	s18 =	simm.s32 $0x80;
	[smem:$0x7FF] =	sst s3;
	s9 =	smul.u32 $0x50000, s0  }
0x6: {  	s1 =	sshll.u32 s5, $0x4;
	s5 =	ssub.s32 $0x2, s5;
	s20 =	smul.u32 $0x2800, s0  }
0x7: {  	s21 =	sshll.u32 s0, $0x6;
	s4 =	sor.u32 s0, s1;
	s1 =	rddreg [dreg:$0x2]  }
0x8: {  	_ =	strace $0x8000004A;
	s29 =	sshrl.u32 s5, $0x1;
	s21 =	sor.u32 $0x1C02, s21  }
0x9: {  	s7 =	smul.u32 $0x500, s4;
	s4 =	sadd.s32 $0x1F800, s6;
	s30 =	sshrl.u32 s9, $0x2  }
0xa: {  	s11 =	sadd.s32 s8, s6;
	s31 =	ssub.s32 s5, s29;
	s5 =	sadd.s32 s30, s2  }
0xb: {  	s19 =	sadd.s32 $0x47800, s11;
	s9 =	smax.u32 s31, $0x1;
	s10 =	sadd.s32 s7, s6  }
0xc: {  	s11 =	sadd.s32 $0x8000, s5;
	s12 =	sadd.s32 $0xC000, s5;
	s13 =	sadd.s32 $0x10000, s5  }
0xd: {  	s19 =	sadd.s32 s20, s19;
	s20 =	simm.s32 $0x1;
	s6 =	sadd.s32 $0xB800, s10  }
0xe: {  	v0 =	vimm.f32 $0.0e+00;
	s7 =	sadd.s32 $0x15800, s10;
	s8 =	sadd.s32 $0x1800, s10;
	s10 =	sadd.s32 $0x4000, s5  }
.LBB2_1:
0xf: {  	s22 =	simm.s32 $0x0;
	s23 =	simm.s32 $0x200  }
.LBB2_2:
0x10: {  	p0 =	sne.s32 s23, $0xFE00;
	[tilespmem:s22+$0x7870] =	vst v0  }
0x11: {  	[tilespmem:s22+$0x7800] =	vst v0  }
0x12: {  	[tilespmem:s22+$0x7810] =	vst v0  }
.Ltmp0:
0x13: {  	[tilespmem:s22+$0x7820] =	vst v0;
	(pc) =	sbr.rel @p0 .LBB2_2-.Ltmp0, $4  }
0x14: {  	[tilespmem:s22+$0x7830] =	vst v0  }
0x15: {  	[tilespmem:s22+$0x7840] =	vst v0  }
0x16: {  	[tilespmem:s22+$0x7850] =	vst v0  }
0x17: {  	[tilespmem:s22+$0x7860] =	vst v0;
	s22 =	sshra.s32 s23, $0x2;
	s23 =	sadd.s32 $0x200, s23  }
0x18: {  	[tilespmem:s22+$0x7870] =	vst v0  }
0x19: {  	[tilespmem:s22+$0x7800] =	vst v0  }
0x1a: {  	[tilespmem:s22+$0x7810] =	vst v0  }
0x1b: {  	[tilespmem:s22+$0x7820] =	vst v0  }
0x1c: {  	[tilespmem:s22+$0x7830] =	vst v0  }
0x1d: {  	[tilespmem:s22+$0x7840] =	vst v0  }
0x1e: {  	[tilespmem:s22+$0x7850] =	vst v0  }
0x1f: {  	[tilespmem:s22+$0x7860] =	vst v0  }
0x20: {  	[spmem:s5] =	stream.linear.scatter [tilespmem:s14], [sflag:$0x2], $0x4000, $0x38;
	[tilespmem:$0x1F800] =	vst v63  }
0x21: {  	_ =	swait.ge [sflag:s15], $0x4000  }
0x22: {  	[sflag:s15] =	ssyncset.done $0x0  }
0x23: {  	[sflag:s15] =	ssyncadd.s32 $0xFFFFC000  }
0x24: {  	[spmem:s10] =	stream.linear.scatter [tilespmem:s14], [sflag:$0x2], $0x4000, $0x38;
	[tilespmem:$0x1F800] =	vst v63  }
0x25: {  	_ =	swait.ge [sflag:s15], $0x4000  }
0x26: {  	[sflag:s15] =	ssyncset.done $0x0  }
0x27: {  	[sflag:s15] =	ssyncadd.s32 $0xFFFFC000  }
0x28: {  	[spmem:s11] =	stream.linear.scatter [tilespmem:s14], [sflag:$0x2], $0x4000, $0x38;
	[tilespmem:$0x1F800] =	vst v63  }
0x29: {  	_ =	swait.ge [sflag:s15], $0x4000  }
0x2a: {  	[sflag:s15] =	ssyncset.done $0x0  }
0x2b: {  	[sflag:s15] =	ssyncadd.s32 $0xFFFFC000  }
0x2c: {  	[spmem:s12] =	stream.linear.scatter [tilespmem:s14], [sflag:$0x2], $0x4000, $0x38;
	[tilespmem:$0x1F800] =	vst v63  }
0x2d: {  	_ =	swait.ge [sflag:s15], $0x4000  }
0x2e: {  	[sflag:s15] =	ssyncset.done $0x0  }
0x2f: {  	[sflag:s15] =	ssyncadd.s32 $0xFFFFC000  }
0x30: {  	[spmem:s13] =	stream.linear.scatter [tilespmem:s14], [sflag:$0x2], $0x4000, $0x38;
	[tilespmem:$0x1F800] =	vst v63  }
0x31: {  	_ =	swait.ge [sflag:s15], $0x4000  }
0x32: {  	[sflag:s15] =	ssyncset.done $0x0  }
0x33: {  	s22 =	simm.s32 $0x0;
	[sflag:s15] =	ssyncadd.s32 $0xFFFFC000  }
0x34: {  	[tilespmem:s22], [sflag:$0x2] =	stream.linear.gather [hbm4b:s6+s22], $0x2800, $0x38;
	[tilespmem:$0x1F800] =	vst v63  }
0x35: {  	_ =	swait.ge [sflag:s15], $0x2800  }
0x36: {  	[sflag:s15] =	ssyncset.done $0x0  }
0x37: {  	[sflag:s15] =	ssyncadd.s32 $0xFFFFD800  }
0x38: {  	[tilespmem:s16], [sflag:$0x2] =	stream.linear.gather [hbm4b:s7+s22], $0x2800, $0x38;
	[tilespmem:$0x1F800] =	vst v63  }
0x39: {  	_ =	swait.ge [sflag:s15], $0x2800  }
0x3a: {  	[sflag:s15] =	ssyncset.done $0x0  }
0x3b: {  	[sflag:s15] =	ssyncadd.s32 $0xFFFFD800  }
0x3c: {  	[tilespmem:s17], [sflag:$0x2] =	stream.linear.gather [hbm4b:s8+s22], $0x2800, $0x38;
	[tilespmem:$0x1F800] =	vst v63  }
0x3d: {  	_ =	swait.ge [sflag:s15], $0x2800  }
0x3e: {  	[sflag:s15] =	ssyncset.done $0x0  }
0x3f: {  	[sflag:s15] =	ssyncadd.s32 $0xFFFFD800  }
0x40: {  	s23 =	simm.s32 $0x0;
	[bflag:$0x0] =	sbarrier.arrive $0xFFFF  }
.LBB2_4:
0x41: {  	s24 =	sshll.u32 s23, $0x7;
	v2 =	vmov s22  }
0x42: {  	v1 =	vmov s24;
	v2 =	vand.u32 $0x7F, v2  }
0x43: {  	[tilespmem:s14], [sflag:$0x1] =	stream.indirect.gather [hbm4b:s4+s18], $0x80, s24, s18, $0xb8;
	v2 =	vadd.s32 v1, v2;
	[tilespmem:$0x1F800] =	vst v63  }
0x44: {  	_ =	swait.ge [sflag:s20], $0x4000;
	v2 =	vbroadcast v2, $0x0  }
0x45: {  	[sflag:s20] =	ssyncset.done $0x0  }
0x46: {  	s25 =	simm.s32 $0x7840;
	[sflag:s20] =	ssyncadd.s32 $0xFFFFC000  }
0x47: {  	v6 =	vld [tilespmem:s25+$0x30]  }
0x48: {  	v9 =	vld [tilespmem:s25+$0x10]  }
0x49: {  	v7 =	vld [tilespmem:s25+$0xFFFFFFC0]  }
0x4a: {  	v3 =	vld.idx.msk [tilespmem:v2+s17+$0x0], $0xffff  }
0x4b: {  	v12 =	vld [tilespmem:s25+$0xFFFFFFE0]  }
0x4c: {  	v4 =	vld [tilespmem:s25+$0x20]  }
0x4d: {  	v5 =	vld [tilespmem:s25+$0xFFFFFFD0]  }
0x4e: {  	v2 =	vld [tilespmem:s25+$0xFFFFFFF0]  }
0x4f: {  	v10 =	vmul.f32 v6, v3;
	v6 =	vld [tilespmem:s25+$0x0]  }
0x50: {  	s26 =	simm.s32 $0x1;
	v8 =	vmul.f32 v7, v3  }
0x51: {  	s28 =	simm.s32 $0x2;
	v11 =	vmov s26;
	s26 =	simm.s32 $0x7840;
	v7 =	vmul.f32 v12, v3;
	v9 =	vmul.f32 v9, v3  }
.LBB2_5:
0x52: {  	p0 =	sne.s32 s28, $0x7F  }
0x53: {  	v11 =	vand.u32 $0x7F, v11;
	v5 =	vmul.f32 v5, v3;
	v4 =	vmul.f32 v4, v3;
	[tilespmem:s25+$0x30] =	vst v10;
	s26 =	sadd.s32 $0x80, s26;
	s29 =	smov.u32 s28;
	s28 =	sadd.s32 $0x1, s28  }
0x54: {  	v10 =	vadd.s32 v1, v11;
	[tilespmem:s25+$0xFFFFFFC0] =	vst v8;
	v8 =	vmul.f32 v2, v3;
	v3 =	vmul.f32 v6, v3  }
0x55: {  	v6 =	vbroadcast v10, $0x0;
	[tilespmem:s25+$0x10] =	vst v9  }
0x56: {  	[tilespmem:s25+$0xFFFFFFE0] =	vst v7  }
0x57: {  	v2 =	vld [tilespmem:s26+$0xFFFFFFF0];
	[tilespmem:s25+$0xFFFFFFF0] =	vst v8  }
0x58: {  	v7 =	vld [tilespmem:s26+$0x30];
	[tilespmem:s25+$0x0] =	vst v3  }
0x59: {  	v9 =	vld [tilespmem:s26+$0x10];
	[tilespmem:s25+$0x20] =	vst v4  }
0x5a: {  	v8 =	vld [tilespmem:s26+$0xFFFFFFC0];
	[tilespmem:s25+$0xFFFFFFD0] =	vst v5;
	s25 =	smov.u32 s26  }
0x5b: {  	v3 =	vld.idx.msk [tilespmem:v6+s17+$0x0], $0xffff  }
0x5c: {  	v12 =	vld [tilespmem:s26+$0xFFFFFFE0]  }
0x5d: {  	v4 =	vld [tilespmem:s26+$0x20]  }
.Ltmp1:
0x5e: {  	v5 =	vld [tilespmem:s26+$0xFFFFFFD0];
	(pc) =	sbr.rel @p0 .LBB2_5-.Ltmp1, $3  }
0x5f: {  	v6 =	vld [tilespmem:s26+$0x0];
	_ =	sdelay $0x1  }
0x60: {  	v8 =	vmul.f32 v8, v3;
	v10 =	vmul.f32 v7, v3  }
0x61: {  	v11 =	vmov s29;
	v9 =	vmul.f32 v9, v3;
	v7 =	vmul.f32 v12, v3  }
0x62: {  	[tilespmem:s25+$0x30] =	vst v10;
	v58 =	vand.u32 $0x7F, v11  }
0x63: {  	[tilespmem:s25+$0xFFFFFFC0] =	vst v8;
	v1 =	vadd.s32 v1, v58  }
0x64: {  	v2 =	vmul.f32 v2, v3;
	[tilespmem:s25+$0x10] =	vst v9;
	v1 =	vbroadcast v1, $0x0  }
0x65: {  	s26 =	sadd.s32 $0x80, s26;
	[tilespmem:s25+$0xFFFFFFE0] =	vst v7;
	v6 =	vmul.f32 v6, v3  }
0x66: {  	v4 =	vmul.f32 v4, v3;
	v3 =	vmul.f32 v5, v3;
	v7 =	vld [tilespmem:s26+$0xFFFFFFF0];
	[tilespmem:s25+$0xFFFFFFF0] =	vst v2  }
0x67: {  	v2 =	vld [tilespmem:s26+$0x30];
	[tilespmem:s25+$0x0] =	vst v6  }
0x68: {  	v60 =	vld [tilespmem:s26+$0xFFFFFFC0];
	[tilespmem:s25+$0xFFFFFFD0] =	vst v3  }
0x69: {  	v59 =	vld [tilespmem:s26+$0x10];
	[tilespmem:s25+$0x20] =	vst v4  }
0x6a: {  	v1 =	vld.idx.msk [tilespmem:v1+s17+$0x0], $0xffff;
	_ =	sdelay $0x2  }
0x6b: {  	v6 =	vld [tilespmem:s26+$0x0]  }
0x6c: {  	v3 =	vld [tilespmem:s26+$0xFFFFFFE0]  }
0x6d: {  	v2 =	vmul.f32 v2, v1  }
0x6e: {  	v61 =	vld [tilespmem:s26+$0x20];
	v4 =	vmul.f32 v60, v1  }
0x6f: {  	v62 =	vld [tilespmem:s26+$0xFFFFFFD0];
	v5 =	vmul.f32 v59, v1;
	[tilespmem:s26+$0x30] =	vst v2  }
0x70: {  	v63 =	vmul.f32 v6, v1;
	[tilespmem:s26+$0xFFFFFFC0] =	vst v4  }
0x71: {  	v2 =	vmul.f32 v3, v1;
	[tilespmem:s26+$0x10] =	vst v5  }
0x72: {  	v3 =	vmul.f32 v7, v1;
	[tilespmem:s26+$0x0] =	vst v63  }
0x73: {  	[tilespmem:s26+$0xFFFFFFE0] =	vst v2;
	v2 =	vmul.f32 v61, v1  }
0x74: {  	s23 =	sadd.s32 $0x1, s23;
	[tilespmem:s26+$0xFFFFFFF0] =	vst v3;
	v1 =	vmul.f32 v62, v1  }
0x75: {  	p0 =	sne.s32 s23, $0x50;
	[tilespmem:s26+$0x20] =	vst v2  }
.Ltmp2:
0x76: {  	s24 =	sadd.s32 $0x2800, s24;
	[tilespmem:s26+$0xFFFFFFD0] =	vst v1;
	(pc) =	sbr.rel @p0 .LBB2_4-.Ltmp2, $4  }
0x77: {  	[spmem:s2] =	stream.indirect.scatter.add.f32 [tilespmem:s14], [sflag:$0x2], $0x80, s24, s18, $0xb8;
	[tilespmem:$0x1F800] =	vst v63  }
0x78: {  	_ =	swait.ge [sflag:s15], $0x4000  }
0x79: {  	[sflag:s15] =	ssyncset.done $0x0  }
0x7a: {  	[sflag:s15] =	ssyncadd.s32 $0xFFFFC000  }
0x7b: {  	s3 =	sadd.s32 $0x1, s3  }
0x7c: {  	p0 =	sne.s32 s3, s9  }
.Ltmp3:
0x7d: {  	[bflag:$0x0] =	sbarrier.arrive $0xFFFF;
	s22 =	sshrl.u32 s5, $0x3;
	(pc) =	sbr.rel @p0 .LBB2_1-.Ltmp3, $4  }
0x7e: {  	[hbm:s19], [sflag:s21] =	dma.local [spmem:s22], $0x2800  }
0x7f: {  	_ =	swait.ge [sflag:s15], $0x2800  }
0x80: {  	[sflag:s15] =	ssyncset.done $0x0  }
0x81: {  	[sflag:s15] =	ssyncadd.s32 $0xFFFFD800  }
0x82: {  	_ =	sfence.sel $0x180000  }
0x83: {  	[bflag:$0x0] =	sbarrier.arrive $0xFFFF  }
0x84: {  	p0 =	sne.s32 s0, $0x0;
	_ =	strace $0x9000004A  }
0x85: {  	s0 =	sadd.s32 @!p0 $0x100000, s1;
	[bflag:$0x2] =	sbarrier.arrive $0xFFFF  }
0x86: {  	[sflag:s0] =	ssyncadd.tile.s32 @!p0 $0x1;
	_ =	shalt  }
.Lfunc_end2:
_tile_overlayer_lowered:
.L_overlay_start_2:
0x87: {  	(tag) =	ssettag $0x2  }
0x88: {  	s0 =	rddreg [dreg:$0x0];
	s2 =	stileid.u32  }
0x89: {  	s1 =	rddreg [dreg:$0x1];
	p0 =	sne.s32 s2, $0x0  }
0x8a: {  	s3 =	rddreg [dreg:$0x2];
	[bflag:$0x3] =	sbarrier.arrive $0xFFFF;
	s2 =	simm.s32 @!p0 $0x1C02  }
0x8b: {  	[timem:s3], [sflag:s2] =	dma.local @!p0 [hbm:s0], s1  }
0x8c: {  	s0 =	simm.s32 @!p0 $0x2  }
0x8d: {  	_ =	swait.ge @!p0 [sflag:s0], s1  }
0x8e: {  	s1 =	ssub.s32 @!p0 $0x0, s1;
	[sflag:s0] =	ssyncset.done @!p0 $0x0  }
0x8f: {  	[sflag:s0] =	ssyncadd.s32 @!p0 s1  }
0x90: {  	[bflag:$0x3] =	sbarrier.arrive $0xFFFF  }
0x91: {  	_ =	shalt  }

// kernel: kernel.7.cloned.1.call-start
scs
__scs_entry_jumppad:
0x0: {  	(pc) =	sbr.rel $0x88, $3  }
0x1: {  	(tag) =	ssettag $0x0;
	lr =	simm.s32 $0x1  }
0x2: {  	[smem:$0x3F9A] =	sst lr;
	_ =	strace $0xD0000000  }
0x3: {  	_ = 	snop  }
0x4: {  	_ = 	snop  }
0x5: {  	_ = 	snop  }
0x6: {  	_ = 	snop  }
0x7: {  	_ = 	snop  }
__scs_overlays_trampoline_lowered:
0x8: {  	[smem:$0x3FA9] =	sst s0  }
0x9: {  	[smem:$0x3FAA] =	sst s1  }
0xa: {  	[smem:$0x3FAB] =	sst s2  }
0xb: {  	[smem:$0x3FAC] =	sst s3  }
0xc: {  	[smem:$0x3FAD] =	sst s4  }
0xd: {  	[smem:$0x3FAE] =	sst s5  }
0xe: {  	[smem:$0x3FAF] =	sst s6  }
0xf: {  	[smem:$0x3FB0] =	sst s7  }
0x10: {  	[smem:$0x3FB1] =	sst s8  }
0x11: {  	[smem:$0x3FB2] =	sst s9;
	s0 =	simm.s32 @!p0 $0x0  }
0x12: {  	s1 =	sld [smem:$0x3F98];
	s0 =	simm.s32 @p0 $0x1  }
0x13: {  	[smem:$0x3FB3] =	sst s0;
	s0 =	simm.s32 @!p1 $0x0  }
0x14: {  	s2 =	sld [smem:$0x3F97];
	s0 =	simm.s32 @p1 $0x1  }
0x15: {  	[smem:$0x3FB4] =	sst s0;
	s0 =	simm.s32 @!p2 $0x0  }
0x16: {  	s3 =	sld [smem:$0x3FDB];
	s0 =	simm.s32 @p2 $0x1  }
0x17: {  	s4 =	simm.s32 $0x1BF5;
	[smem:$0x3FB6] =	sst s0  }
0x18: {  	s0 =	sld [smem:$0x3F99];
	_ =	swait.ge [sflag:s4], $0x0  }
0x19: {  	s7 =	sld [smem:$0x3F9A]  }
0x1a: {  	s8 =	sadd.s32 $0xFFFFE003, lr  }
0x1b: {  	s9 =	sadd.s32 $0xFFFFFEF7, lr;
	s5 =	simm.s32 $0xFFFFFFFF;
	p2 =	slt.u32 s8, $0xFFFFF086  }
0x1c: {  	p1 =	slt.u32 s9, $0xF7A;
	s5 =	simm.s32 @!p2 $0x0  }
0x1d: {  	s5 =	simm.s32 @p1 $0x1;
	p0 =	seq.s32 s7, s2  }
0x1e: {  	s7 =	smul.u32 @!p0 $0xF7A, s2;
	p2 =	seq.s32 @!p0 s5, $0x0  }
0x1f: {  	s9 =	smul.u32 $0xF7A, s1;
	s8 =	simm.s32 @!p0 $0x1BF5;
	p2 =	por !p2, p0  }
0x20: {  	[sflag:s8] =	ssyncset.s32 @!p0 $0xFFFFF086;
	s6 =	sadd.s32 @!p0 s3, s7;
	s7 =	simm.s32 @!p0 $0x108  }
0x21: {  	s3 =	sadd.s32 s3, s9;
	s6 =	sadd.s32 @!p0 $0x88, s6;
	s7 =	simm.s32 @p2 $0x1082  }
0x22: {  	[simem:s7], [sflag:s8] =	dma.local @!p0 [hbm:s6], $0xF7A  }
0x23: {  	s9 =	sor.u32 $0xD0000000, s2;
	s6 =	simm.s32 $0x108;
	_ =	swait.ge @!p0 [sflag:s8], $0x0  }
0x24: {  	s3 =	sadd.s32 $0x88, s3;
	s6 =	simm.s32 @!p1 $0x1082;
	[sflag:s4] =	ssyncset.s32 $0xFFFFF086  }
0x25: {  	[simem:s6], [sflag:s4] =	dma.local [hbm:s3], $0xF7A  }
0x26: {  	[smem:$0x3F9A] =	sst s1;
	(tag) =	ssettag s2;
	_ =	strace s9  }
0x27: {  	s1 =	sld [smem:$0x3FAA]  }
0x28: {  	s2 =	sld [smem:$0x3FAB]  }
0x29: {  	s4 =	sld [smem:$0x3FAD]  }
0x2a: {  	p0 =	seq.s32 s5, $0x0;
	s5 =	sld [smem:$0x3FAE]  }
0x2b: {  	s6 =	sld [smem:$0x3FAF]  }
0x2c: {  	s7 =	sld [smem:$0x3FB0]  }
0x2d: {  	s3 =	simm.s32 $0x108;
	s8 =	sld [smem:$0x3FB1]  }
0x2e: {  	s3 =	simm.s32 @!p0 $0x1082;
	s9 =	sld [smem:$0x3FB2]  }
0x2f: {  	lr =	sadd.s32 s0, s3;
	s0 =	sld [smem:$0x3FA9]  }
0x30: {  	s3 =	sld [smem:$0x3FAC]  }
0x31: {  	[smem:$0x3FB5] =	sst s10  }
0x32: {  	s10 =	sld [smem:$0x3FB3];
	_ =	sdelay $0x3  }
0x33: {  	p0 =	seq.s32 s10, $0x1;
	s10 =	sld [smem:$0x3FB5];
	_ =	sdelay $0x3  }
0x34: {  	[smem:$0x3FB5] =	sst s10  }
0x35: {  	s10 =	sld [smem:$0x3FB4];
	_ =	sdelay $0x3  }
0x36: {  	p1 =	seq.s32 s10, $0x1;
	s10 =	sld [smem:$0x3FB5];
	_ =	sdelay $0x3  }
0x37: {  	[smem:$0x3FB5] =	sst s10  }
0x38: {  	s10 =	sld [smem:$0x3FB6]  }
0x39: {  	_ = 	snop;
	(pc) =	sbr.ind lr, $3  }
0x3a: {  	_ = 	snop  }
0x3b: {  	_ = 	snop  }
0x3c: {  	p2 =	seq.s32 s10, $0x1;
	s10 =	sld [smem:$0x3FB5]  }
0x3d: {  	_ =	shalt  }
0x3e: {  	_ =	shalt  }
0x3f: {  	_ =	shalt  }
0x40: {  	_ =	shalt  }
0x41: {  	_ =	shalt  }
0x42: {  	_ =	shalt  }
0x43: {  	_ =	shalt  }
0x44: {  	_ =	shalt  }
0x45: {  	_ =	shalt  }
0x46: {  	_ =	shalt  }
0x47: {  	_ =	shalt  }
0x48: {  	_ =	shalt  }
0x49: {  	_ =	shalt  }
0x4a: {  	_ =	shalt  }
0x4b: {  	_ =	shalt  }
0x4c: {  	_ =	shalt  }
0x4d: {  	_ =	shalt  }
0x4e: {  	_ =	shalt  }
0x4f: {  	_ =	shalt  }
0x50: {  	_ =	shalt  }
0x51: {  	_ =	shalt  }
0x52: {  	_ =	shalt  }
0x53: {  	_ =	shalt  }
0x54: {  	_ =	shalt  }
0x55: {  	_ =	shalt  }
0x56: {  	_ =	shalt  }
0x57: {  	_ =	shalt  }
0x58: {  	_ =	shalt  }
0x59: {  	_ =	shalt  }
0x5a: {  	_ =	shalt  }
0x5b: {  	_ =	shalt  }
0x5c: {  	_ =	shalt  }
0x5d: {  	_ =	shalt  }
0x5e: {  	_ =	shalt  }
0x5f: {  	_ =	shalt  }
0x60: {  	_ =	shalt  }
0x61: {  	_ =	shalt  }
0x62: {  	_ =	shalt  }
0x63: {  	_ =	shalt  }
0x64: {  	_ =	shalt  }
0x65: {  	_ =	shalt  }
0x66: {  	_ =	shalt  }
0x67: {  	_ =	shalt  }
0x68: {  	_ =	shalt  }
0x69: {  	_ =	shalt  }
0x6a: {  	_ =	shalt  }
0x6b: {  	_ =	shalt  }
0x6c: {  	_ =	shalt  }
0x6d: {  	_ =	shalt  }
0x6e: {  	_ =	shalt  }
0x6f: {  	_ =	shalt  }
0x70: {  	_ =	shalt  }
0x71: {  	_ =	shalt  }
0x72: {  	_ =	shalt  }
0x73: {  	_ =	shalt  }
0x74: {  	_ =	shalt  }
0x75: {  	_ =	shalt  }
0x76: {  	_ =	shalt  }
0x77: {  	_ =	shalt  }
0x78: {  	_ =	shalt  }
0x79: {  	_ =	shalt  }
0x7a: {  	_ =	shalt  }
0x7b: {  	_ =	shalt  }
0x7c: {  	_ =	shalt  }
0x7d: {  	_ =	shalt  }
0x7e: {  	_ =	shalt  }
0x7f: {  	_ =	shalt  }
0x80: {  	_ =	shalt  }
0x81: {  	_ =	shalt  }
0x82: {  	_ =	shalt  }
0x83: {  	_ =	shalt  }
0x84: {  	_ =	shalt  }
0x85: {  	_ =	shalt  }
0x86: {  	_ =	shalt  }
0x87: {  	_ =	shalt  }
.Lfunc_end0:
.L_simem_size_0:
called_computation_lowered:
.L_overlay_start_0:
0x88: {  	s2 =	sld [smem:$0x3FD9]  }
0x89: {  	s3 =	sld [smem:$0x3FFE];
	_ =	sdelay $0x1  }
0x8a: {  	s1 =	srdreg.scid  }
0x8b: {  	s0 =	sand.u32 $0x1, s1  }
0x8c: {  	s17 =	sshll.u32 s0, $0xA;
	s2 =	sadd.s32 s3, s2  }
0x8d: {  	s2 =	sadd.s32 s2, s17  }
0x8e: {  	[smem:$0x3FC1] =	sst s2  }
0x8f: {  	_ = 	snop  }
0x90: {  	s2 =	sld [smem:$0x3FD0];
	(tm) =	ssettm $0x1  }
0x91: {  	s18 =	sld [smem:$0x3FFB];
	_ =	sdelay $0x3  }
0x92: {  	_ =	strace s18  }
0x93: {  	s3 =	sld [smem:$0x3FFC];
	_ =	sdelay $0x3  }
0x94: {  	_ =	strace s3  }
0x95: {  	s3 =	sld [smem:$0x3FFD];
	_ =	sdelay $0x3  }
0x96: {  	_ =	strace s3  }
0x97: {  	_ =	strace $0x8FFFFFFF  }
0x98: {  	s19 =	sld [smem:$0x3FDB];
	_ =	sdelay $0x1  }
0x99: {  	s4 =	simm.s32 $_scs_section_size  }
0x9a: {  	s5 =	simm.s32 $_size__tile_overlayer_lowered;
	s6 =	simm.s32 $_tile_overlayer_lowered  }
0x9b: {  	s22 =	simm.s32 $0x1BFF;
	s21 =	sshll.u32 s6, $0x1;
	s3 =	sadd.s32 s4, s19  }
0x9c: {  	s7 =	simm.s32 $0x0;
	s20 =	sshll.u32 s5, $0x1;
	s5 =	sadd.s32 s21, s3  }
0x9d: {  	[timem:s7], [sflag:s22] =	dma.local [hbm:s5], s20  }
0x9e: {  	_ =	swait.ge [sflag:s22], s20  }
0x9f: {  	s4 =	ssub.s32 $0x0, s20;
	[sflag:s22] =	ssyncset.done $0x0  }
0xa0: {  	[sflag:s22] =	ssyncadd.s32 s4;
	_ =	sdelay $0x1  }
0xa1: {  	s23 =	simm.s32 $0x1B8B  }
0xa2: {  	_ =	swait.ge [sflag:s23], $0x1  }
0xa3: {  	[sflag:s23] =	ssyncset.done $0x0  }
0xa4: {  	s25 =	simm.s32 $0x1B8E;
	s24 =	sld [smem:$0x3FFE];
	[sflag:s23] =	ssyncadd.s32 $0xFFFFFFFF  }
0xa5: {  	s26 =	simm.s32 $execute0_lowered;
	[smem:$0x3FD2] =	sst s25  }
0xa6: {  	s5 =	sshll.u32 s26, $0x1;
	_ =	strace $0x80000046;
	[dreg:$0x1] =	wrdreg $0xFFFFFFFF  }
0xa7: {  	s28 =	simm.s32 $_size_execute0_lowered;
	s3 =	sadd.s32 s3, s5;
	[dreg:$0x0] =	wrdreg $0x0  }
0xa8: {  	s5 =	sshll.u32 s28, $0x1;
	[dreg:$0x2] =	wrdreg s3  }
0xa9: {  	[dreg:$0x3] =	wrdreg s5  }
0xaa: {  	[dreg:$0x4] =	wrdreg $0xC0  }
0xab: {  	_ =	task [dreg:s7], $0x5FFFF  }
0xac: {  	[dreg:$0x1] =	wrdreg $0xFFFFFFFF  }
0xad: {  	[dreg:$0x0] =	wrdreg $0x60  }
0xae: {  	[dreg:$0x2] =	wrdreg s2  }
0xaf: {  	[dreg:$0x3] =	wrdreg s24  }
0xb0: {  	[dreg:$0x4] =	wrdreg $0xB8000  }
0xb1: {  	[dreg:$0x5] =	wrdreg $0x9  }
0xb2: {  	_ =	task.clear_ibuf [dreg:s7], $0x6FFFF;
	_ =	strace $0x90000046  }
0xb3: {  	s29 =	simm.s32 $0x9;
	_ =	strace $0x80000048  }
0xb4: {  	_ =	swait.ge [sflag:s29], $0x1  }
0xb5: {  	[sflag:s29] =	ssyncadd.s32 $0xFFFFFFFF  }
0xb6: {  	_ =	strace $0x90000048  }
0xb7: {  	_ =	sfence  }
0xb8: {  	s30 =	sld [smem:$0x0];
	_ =	sdelay $0x2  }
0xb9: {  	s31 =	sshll.u32 s1, $0xD;
	s1 =	sshrl.u32 s1, $0x2  }
0xba: {  	s3 =	sand.u32 $0x4000, s31;
	s1 =	sadd.s32 s1, s30  }
0xbb: {  	s0 =	sor.u32 s3, s0;
	s1 =	sshll.u32 s1, $0x11  }
0xbc: {  	s0 =	sor.u32 s1, s0  }
0xbd: {  	s0 =	sadd.s32 $0x8F2B, s0  }
0xbe: {  	[sflag:s0] =	ssyncadd.remote.s32 $0x1  }
0xbf: {  	_ =	sfence.sel $0xFFFF  }
0xc0: {  	[dreg:$0x0] =	wrdreg $0xFFFFFFFF;
	(pc) =	sbr.abs _section_cstart, $3  }
0xc1: {  	[dreg:$0x1] =	wrdreg $0xFFFFFFFF  }
0xc2: {  	_ =	task.clear_ibuf [dreg:s7], $0x2FFFF;
	_ =	strace $0x9FFFFFFF  }
0xc3: {  	(tm) =	ssettm $0x7FFFFFFF  }
tec
execute0_lowered:
.L_overlay_start_1:
0x0: {  	(tag) =	ssettag $0x1  }
0x1: {  	s1 =	rddreg [dreg:$0x0]  }
0x2: {  	s6 =	rddreg [dreg:$0x1]  }
0x3: {  	s0 =	srdreg.scid;
	s3 =	rddreg [dreg:$0x2];
	s4 =	simm.s32 $0x0  }
0x4: {  	s14 =	simm.s32 $0x7800;
	s15 =	simm.s32 $0x2;
	s16 =	simm.s32 $0x2800  }
0x5: {  	s17 =	simm.s32 $0x5000;
	s5 =	sand.u32 $0x1, s0;
	s0 =	stileid.u32  }
0x6: {  	s18 =	simm.s32 $0x80;
	[smem:$0x7FF] =	sst s4;
	s8 =	smul.u32 $0x28000, s5  }
0x7: {  	s2 =	sshll.u32 s5, $0x4;
	s9 =	smul.u32 $0x50000, s0;
	s5 =	ssub.s32 $0x2, s5  }
0x8: {  	s20 =	smul.u32 $0x2800, s0;
	s21 =	sshll.u32 s0, $0x6;
	s2 =	sor.u32 s0, s2  }
0x9: {  	s29 =	sshrl.u32 s5, $0x1;
	s21 =	sor.u32 $0x1C02, s21;
	s7 =	smul.u32 $0x500, s2  }
0xa: {  	s2 =	rddreg [dreg:$0x3];
	_ =	strace $0x80000047;
	s30 =	sshrl.u32 s9, $0x2  }
0xb: {  	s11 =	sadd.s32 s8, s6;
	s31 =	ssub.s32 s5, s29;
	s5 =	sadd.s32 s30, s3  }
0xc: {  	s19 =	sadd.s32 $0x1F800, s11;
	s9 =	smax.u32 s31, $0x1;
	s10 =	sadd.s32 s7, s6  }
0xd: {  	s11 =	sadd.s32 $0x8000, s5;
	s12 =	sadd.s32 $0xC000, s5;
	s13 =	sadd.s32 $0x10000, s5  }
0xe: {  	s19 =	sadd.s32 s20, s19;
	s20 =	simm.s32 $0x1;
	s6 =	sadd.s32 $0xB800, s10  }
0xf: {  	v0 =	vimm.f32 $0.0e+00;
	s7 =	sadd.s32 $0x15800, s10;
	s8 =	sadd.s32 $0x1800, s10;
	s10 =	sadd.s32 $0x4000, s5  }
.LBB2_1:
0x10: {  	s22 =	simm.s32 $0x0;
	s23 =	simm.s32 $0x200  }
.LBB2_2:
0x11: {  	p0 =	sne.s32 s23, $0xFE00;
	[tilespmem:s22+$0x7870] =	vst v0  }
0x12: {  	[tilespmem:s22+$0x7800] =	vst v0  }
0x13: {  	[tilespmem:s22+$0x7810] =	vst v0  }
.Ltmp0:
0x14: {  	[tilespmem:s22+$0x7820] =	vst v0;
	(pc) =	sbr.rel @p0 .LBB2_2-.Ltmp0, $4  }
0x15: {  	[tilespmem:s22+$0x7830] =	vst v0  }
0x16: {  	[tilespmem:s22+$0x7840] =	vst v0  }
0x17: {  	[tilespmem:s22+$0x7850] =	vst v0  }
0x18: {  	[tilespmem:s22+$0x7860] =	vst v0;
	s22 =	sshra.s32 s23, $0x2;
	s23 =	sadd.s32 $0x200, s23  }
0x19: {  	[tilespmem:s22+$0x7870] =	vst v0  }
0x1a: {  	[tilespmem:s22+$0x7800] =	vst v0  }
0x1b: {  	[tilespmem:s22+$0x7810] =	vst v0  }
0x1c: {  	[tilespmem:s22+$0x7820] =	vst v0  }
0x1d: {  	[tilespmem:s22+$0x7830] =	vst v0  }
0x1e: {  	[tilespmem:s22+$0x7840] =	vst v0  }
0x1f: {  	[tilespmem:s22+$0x7850] =	vst v0  }
0x20: {  	[tilespmem:s22+$0x7860] =	vst v0  }
0x21: {  	[spmem:s5] =	stream.linear.scatter [tilespmem:s14], [sflag:$0x2], $0x4000, $0x38;
	[tilespmem:$0x1F800] =	vst v63  }
0x22: {  	_ =	swait.ge [sflag:s15], $0x4000  }
0x23: {  	[sflag:s15] =	ssyncset.done $0x0  }
0x24: {  	[sflag:s15] =	ssyncadd.s32 $0xFFFFC000  }
0x25: {  	[spmem:s10] =	stream.linear.scatter [tilespmem:s14], [sflag:$0x2], $0x4000, $0x38;
	[tilespmem:$0x1F800] =	vst v63  }
0x26: {  	_ =	swait.ge [sflag:s15], $0x4000  }
0x27: {  	[sflag:s15] =	ssyncset.done $0x0  }
0x28: {  	[sflag:s15] =	ssyncadd.s32 $0xFFFFC000  }
0x29: {  	[spmem:s11] =	stream.linear.scatter [tilespmem:s14], [sflag:$0x2], $0x4000, $0x38;
	[tilespmem:$0x1F800] =	vst v63  }
0x2a: {  	_ =	swait.ge [sflag:s15], $0x4000  }
0x2b: {  	[sflag:s15] =	ssyncset.done $0x0  }
0x2c: {  	[sflag:s15] =	ssyncadd.s32 $0xFFFFC000  }
0x2d: {  	[spmem:s12] =	stream.linear.scatter [tilespmem:s14], [sflag:$0x2], $0x4000, $0x38;
	[tilespmem:$0x1F800] =	vst v63  }
0x2e: {  	_ =	swait.ge [sflag:s15], $0x4000  }
0x2f: {  	[sflag:s15] =	ssyncset.done $0x0  }
0x30: {  	[sflag:s15] =	ssyncadd.s32 $0xFFFFC000  }
0x31: {  	[spmem:s13] =	stream.linear.scatter [tilespmem:s14], [sflag:$0x2], $0x4000, $0x38;
	[tilespmem:$0x1F800] =	vst v63  }
0x32: {  	_ =	swait.ge [sflag:s15], $0x4000  }
0x33: {  	[sflag:s15] =	ssyncset.done $0x0  }
0x34: {  	s22 =	simm.s32 $0x0;
	[sflag:s15] =	ssyncadd.s32 $0xFFFFC000  }
0x35: {  	[tilespmem:s22], [sflag:$0x2] =	stream.linear.gather [hbm4b:s6+s22], $0x2800, $0x38;
	[tilespmem:$0x1F800] =	vst v63  }
0x36: {  	_ =	swait.ge [sflag:s15], $0x2800  }
0x37: {  	[sflag:s15] =	ssyncset.done $0x0  }
0x38: {  	[sflag:s15] =	ssyncadd.s32 $0xFFFFD800  }
0x39: {  	[tilespmem:s16], [sflag:$0x2] =	stream.linear.gather [hbm4b:s7+s22], $0x2800, $0x38;
	[tilespmem:$0x1F800] =	vst v63  }
0x3a: {  	_ =	swait.ge [sflag:s15], $0x2800  }
0x3b: {  	[sflag:s15] =	ssyncset.done $0x0  }
0x3c: {  	[sflag:s15] =	ssyncadd.s32 $0xFFFFD800  }
0x3d: {  	[tilespmem:s17], [sflag:$0x2] =	stream.linear.gather [hbm4b:s8+s22], $0x2800, $0x38;
	[tilespmem:$0x1F800] =	vst v63  }
0x3e: {  	_ =	swait.ge [sflag:s15], $0x2800  }
0x3f: {  	[sflag:s15] =	ssyncset.done $0x0  }
0x40: {  	[sflag:s15] =	ssyncadd.s32 $0xFFFFD800  }
0x41: {  	s23 =	simm.s32 $0x0;
	[bflag:$0x0] =	sbarrier.arrive $0xFFFF  }
.LBB2_4:
0x42: {  	s24 =	sshll.u32 s23, $0x7;
	v2 =	vmov s22  }
0x43: {  	v1 =	vmov s24;
	v2 =	vand.u32 $0x7F, v2  }
0x44: {  	[tilespmem:s14], [sflag:$0x1] =	stream.indirect.gather [hbm4b:s1+s18], $0x80, s24, s18, $0xb8;
	v2 =	vadd.s32 v1, v2;
	[tilespmem:$0x1F800] =	vst v63  }
0x45: {  	_ =	swait.ge [sflag:s20], $0x4000;
	v2 =	vbroadcast v2, $0x0  }
0x46: {  	[sflag:s20] =	ssyncset.done $0x0  }
0x47: {  	s25 =	simm.s32 $0x7840;
	[sflag:s20] =	ssyncadd.s32 $0xFFFFC000  }
0x48: {  	v6 =	vld [tilespmem:s25+$0x30]  }
0x49: {  	v9 =	vld [tilespmem:s25+$0x10]  }
0x4a: {  	v7 =	vld [tilespmem:s25+$0xFFFFFFC0]  }
0x4b: {  	v3 =	vld.idx.msk [tilespmem:v2+s17+$0x0], $0xffff  }
0x4c: {  	v12 =	vld [tilespmem:s25+$0xFFFFFFE0]  }
0x4d: {  	v4 =	vld [tilespmem:s25+$0x20]  }
0x4e: {  	v5 =	vld [tilespmem:s25+$0xFFFFFFD0]  }
0x4f: {  	v2 =	vld [tilespmem:s25+$0xFFFFFFF0]  }
0x50: {  	v10 =	vmul.f32 v6, v3;
	v6 =	vld [tilespmem:s25+$0x0]  }
0x51: {  	s26 =	simm.s32 $0x1;
	v8 =	vmul.f32 v7, v3  }
0x52: {  	s28 =	simm.s32 $0x2;
	v11 =	vmov s26;
	s26 =	simm.s32 $0x7840;
	v7 =	vmul.f32 v12, v3;
	v9 =	vmul.f32 v9, v3  }
.LBB2_5:
0x53: {  	p0 =	sne.s32 s28, $0x7F  }
0x54: {  	v11 =	vand.u32 $0x7F, v11;
	v5 =	vmul.f32 v5, v3;
	v4 =	vmul.f32 v4, v3;
	[tilespmem:s25+$0x30] =	vst v10;
	s26 =	sadd.s32 $0x80, s26;
	s29 =	smov.u32 s28;
	s28 =	sadd.s32 $0x1, s28  }
0x55: {  	v10 =	vadd.s32 v1, v11;
	[tilespmem:s25+$0xFFFFFFC0] =	vst v8;
	v8 =	vmul.f32 v2, v3;
	v3 =	vmul.f32 v6, v3  }
0x56: {  	v6 =	vbroadcast v10, $0x0;
	[tilespmem:s25+$0x10] =	vst v9  }
0x57: {  	[tilespmem:s25+$0xFFFFFFE0] =	vst v7  }
0x58: {  	v2 =	vld [tilespmem:s26+$0xFFFFFFF0];
	[tilespmem:s25+$0xFFFFFFF0] =	vst v8  }
0x59: {  	v7 =	vld [tilespmem:s26+$0x30];
	[tilespmem:s25+$0x0] =	vst v3  }
0x5a: {  	v9 =	vld [tilespmem:s26+$0x10];
	[tilespmem:s25+$0x20] =	vst v4  }
0x5b: {  	v8 =	vld [tilespmem:s26+$0xFFFFFFC0];
	[tilespmem:s25+$0xFFFFFFD0] =	vst v5;
	s25 =	smov.u32 s26  }
0x5c: {  	v3 =	vld.idx.msk [tilespmem:v6+s17+$0x0], $0xffff  }
0x5d: {  	v12 =	vld [tilespmem:s26+$0xFFFFFFE0]  }
0x5e: {  	v4 =	vld [tilespmem:s26+$0x20]  }
.Ltmp1:
0x5f: {  	v5 =	vld [tilespmem:s26+$0xFFFFFFD0];
	(pc) =	sbr.rel @p0 .LBB2_5-.Ltmp1, $3  }
0x60: {  	v6 =	vld [tilespmem:s26+$0x0];
	_ =	sdelay $0x1  }
0x61: {  	v8 =	vmul.f32 v8, v3;
	v10 =	vmul.f32 v7, v3  }
0x62: {  	v11 =	vmov s29;
	v9 =	vmul.f32 v9, v3;
	v7 =	vmul.f32 v12, v3  }
0x63: {  	[tilespmem:s25+$0x30] =	vst v10;
	v58 =	vand.u32 $0x7F, v11  }
0x64: {  	[tilespmem:s25+$0xFFFFFFC0] =	vst v8;
	v1 =	vadd.s32 v1, v58  }
0x65: {  	v2 =	vmul.f32 v2, v3;
	[tilespmem:s25+$0x10] =	vst v9;
	v1 =	vbroadcast v1, $0x0  }
0x66: {  	s26 =	sadd.s32 $0x80, s26;
	[tilespmem:s25+$0xFFFFFFE0] =	vst v7;
	v6 =	vmul.f32 v6, v3  }
0x67: {  	v4 =	vmul.f32 v4, v3;
	v3 =	vmul.f32 v5, v3;
	v7 =	vld [tilespmem:s26+$0xFFFFFFF0];
	[tilespmem:s25+$0xFFFFFFF0] =	vst v2  }
0x68: {  	v2 =	vld [tilespmem:s26+$0x30];
	[tilespmem:s25+$0x0] =	vst v6  }
0x69: {  	v60 =	vld [tilespmem:s26+$0xFFFFFFC0];
	[tilespmem:s25+$0xFFFFFFD0] =	vst v3  }
0x6a: {  	v59 =	vld [tilespmem:s26+$0x10];
	[tilespmem:s25+$0x20] =	vst v4  }
0x6b: {  	v1 =	vld.idx.msk [tilespmem:v1+s17+$0x0], $0xffff;
	_ =	sdelay $0x2  }
0x6c: {  	v6 =	vld [tilespmem:s26+$0x0]  }
0x6d: {  	v3 =	vld [tilespmem:s26+$0xFFFFFFE0]  }
0x6e: {  	v2 =	vmul.f32 v2, v1  }
0x6f: {  	v61 =	vld [tilespmem:s26+$0x20];
	v4 =	vmul.f32 v60, v1  }
0x70: {  	v62 =	vld [tilespmem:s26+$0xFFFFFFD0];
	v5 =	vmul.f32 v59, v1;
	[tilespmem:s26+$0x30] =	vst v2  }
0x71: {  	v63 =	vmul.f32 v6, v1;
	[tilespmem:s26+$0xFFFFFFC0] =	vst v4  }
0x72: {  	v2 =	vmul.f32 v3, v1;
	[tilespmem:s26+$0x10] =	vst v5  }
0x73: {  	v3 =	vmul.f32 v7, v1;
	[tilespmem:s26+$0x0] =	vst v63  }
0x74: {  	[tilespmem:s26+$0xFFFFFFE0] =	vst v2;
	v2 =	vmul.f32 v61, v1  }
0x75: {  	s23 =	sadd.s32 $0x1, s23;
	[tilespmem:s26+$0xFFFFFFF0] =	vst v3;
	v1 =	vmul.f32 v62, v1  }
0x76: {  	p0 =	sne.s32 s23, $0x50;
	[tilespmem:s26+$0x20] =	vst v2  }
.Ltmp2:
0x77: {  	s24 =	sadd.s32 $0x2800, s24;
	[tilespmem:s26+$0xFFFFFFD0] =	vst v1;
	(pc) =	sbr.rel @p0 .LBB2_4-.Ltmp2, $4  }
0x78: {  	[spmem:s3] =	stream.indirect.scatter.add.f32 [tilespmem:s14], [sflag:$0x2], $0x80, s24, s18, $0xb8;
	[tilespmem:$0x1F800] =	vst v63  }
0x79: {  	_ =	swait.ge [sflag:s15], $0x4000  }
0x7a: {  	[sflag:s15] =	ssyncset.done $0x0  }
0x7b: {  	[sflag:s15] =	ssyncadd.s32 $0xFFFFC000  }
0x7c: {  	s4 =	sadd.s32 $0x1, s4  }
0x7d: {  	p0 =	sne.s32 s4, s9  }
.Ltmp3:
0x7e: {  	[bflag:$0x0] =	sbarrier.arrive $0xFFFF;
	s22 =	sshrl.u32 s5, $0x3;
	(pc) =	sbr.rel @p0 .LBB2_1-.Ltmp3, $4  }
0x7f: {  	[hbm:s19], [sflag:s21] =	dma.local [spmem:s22], $0x2800  }
0x80: {  	_ =	swait.ge [sflag:s15], $0x2800  }
0x81: {  	[sflag:s15] =	ssyncset.done $0x0  }
0x82: {  	[sflag:s15] =	ssyncadd.s32 $0xFFFFD800  }
0x83: {  	_ =	sfence.sel $0x180000  }
0x84: {  	[bflag:$0x0] =	sbarrier.arrive $0xFFFF  }
0x85: {  	p0 =	sne.s32 s0, $0x0;
	_ =	strace $0x90000047  }
0x86: {  	s0 =	sadd.s32 @!p0 $0x100000, s2;
	[bflag:$0x2] =	sbarrier.arrive $0xFFFF  }
0x87: {  	[sflag:s0] =	ssyncadd.tile.s32 @!p0 $0x1;
	_ =	shalt  }
.Lfunc_end2:
_tile_overlayer_lowered:
.L_overlay_start_2:
0x88: {  	(tag) =	ssettag $0x2  }
0x89: {  	s0 =	rddreg [dreg:$0x0];
	s2 =	stileid.u32  }
0x8a: {  	s1 =	rddreg [dreg:$0x1];
	p0 =	sne.s32 s2, $0x0  }
0x8b: {  	s3 =	rddreg [dreg:$0x2];
	[bflag:$0x3] =	sbarrier.arrive $0xFFFF;
	s2 =	simm.s32 @!p0 $0x1C02  }
0x8c: {  	[timem:s3], [sflag:s2] =	dma.local @!p0 [hbm:s0], s1  }
0x8d: {  	s0 =	simm.s32 @!p0 $0x2  }
0x8e: {  	_ =	swait.ge @!p0 [sflag:s0], s1  }
0x8f: {  	s1 =	ssub.s32 @!p0 $0x0, s1;
	[sflag:s0] =	ssyncset.done @!p0 $0x0  }
0x90: {  	[sflag:s0] =	ssyncadd.s32 @!p0 s1  }
0x91: {  	[bflag:$0x3] =	sbarrier.arrive $0xFFFF  }
0x92: {  	_ =	shalt  }

</sc_bundles>
